<compile_context>
chip_gen: v7x
topology: tpu7x:2x2x1
jax: 0.10.2.dev20260603
libtpu: 0.0.44.dev20260713+nightly
codegen_flags: <defaults>
</compile_context>

<pallas_src>
import functools

import jax
import jax.numpy as jnp
from jax import lax
from jax.experimental import pallas as pl
from jax.experimental.pallas import tpu as pltpu
from jax.experimental.pallas import tpu_sc as plsc

B = 1024
L = 200
D = 32
BL = B * L

_NC = 2
_NS = 16
_NW = _NC * _NS

_PER_W = BL // _NW
_CHUNK = 128
_NCHUNK = _PER_W // _CHUNK


def _sc_gather(table, idx):
    mesh = plsc.VectorSubcoreMesh(core_axis_name="c", subcore_axis_name="s")

    @functools.partial(
        pl.kernel,
        out_type=jax.ShapeDtypeStruct((BL, D), jnp.float32),
        mesh=mesh,
        scratch_types=[
            pltpu.VMEM((_NCHUNK, _CHUNK), jnp.int32),
            pltpu.VMEM((_CHUNK, D), jnp.float32),
            pltpu.VMEM((_CHUNK, D), jnp.float32),
            pltpu.SemaphoreType.DMA,
            pltpu.SemaphoreType.DMA,
        ],
        compiler_params=pltpu.CompilerParams(use_tc_tiling_on_sc=False),
    )
    def k(tab, idxh, outh, idx_v, rows0, rows1, sem0, sem1):
        wid = lax.axis_index("s") * _NC + lax.axis_index("c")
        pltpu.sync_copy(idxh.at[wid], idx_v)
        base = wid * _PER_W

        pltpu.async_copy(tab.at[idx_v.at[0]], rows0, sem0)
        pltpu.async_copy(tab.at[idx_v.at[1]], rows1, sem1)

        def body(i, carry):
            j0 = 2 * i
            pltpu.make_async_copy(tab.at[idx_v.at[j0]], rows0, sem0).wait()
            pltpu.sync_copy(rows0, outh.at[pl.ds(base + j0 * _CHUNK, _CHUNK)])
            pltpu.async_copy(tab.at[idx_v.at[j0 + 2]], rows0, sem0)
            j1 = j0 + 1
            pltpu.make_async_copy(tab.at[idx_v.at[j1]], rows1, sem1).wait()
            pltpu.sync_copy(rows1, outh.at[pl.ds(base + j1 * _CHUNK, _CHUNK)])
            pltpu.async_copy(tab.at[idx_v.at[j1 + 2]], rows1, sem1)
            return carry

        lax.fori_loop(0, _NCHUNK // 2 - 1, body, 0)

        jl = _NCHUNK - 2
        pltpu.make_async_copy(tab.at[idx_v.at[jl]], rows0, sem0).wait()
        pltpu.sync_copy(rows0, outh.at[pl.ds(base + jl * _CHUNK, _CHUNK)])
        pltpu.make_async_copy(tab.at[idx_v.at[jl + 1]], rows1, sem1).wait()
        pltpu.sync_copy(rows1, outh.at[pl.ds(base + (jl + 1) * _CHUNK, _CHUNK)])

    return k(table, idx)


def _tr_body(x_ref, o_ref):
    o_ref[...] = x_ref[...].T


def _tc_transpose(x):
    return pl.pallas_call(
        _tr_body,
        grid=(L,),
        in_specs=[pl.BlockSpec((B, D), lambda l: (l, 0))],
        out_specs=pl.BlockSpec((D, B), lambda l: (l, 0)),
        out_shape=jax.ShapeDtypeStruct((L * D, B), jnp.float32),
    )(x)


_LBLK = 8


def _tc_body(inter_ref, cont_ref, emb_ref, w_ref, b_ref, g_ref, beta_ref,
             mask_ref, gi_ref, out_i_ref, out_c_ref, mask_out_ref, gi_out_ref):
    emb = emb_ref[...]
    w = w_ref[...]
    bb = b_ref[...]
    g = g_ref[...]
    beta = beta_ref[...]
    wp = w - jnp.mean(w)
    bp = bb - jnp.mean(bb)
    A = jnp.mean(wp * wp)
    Bc = jnp.mean(wp * bp)
    C = jnp.mean(bp * bp)
    w1 = (wp * g).reshape(D, 1)
    w2 = (bp * g).reshape(D, 1)
    betac = beta.reshape(D, 1)
    r0 = emb[0:1, :].reshape(D, 1)
    r1 = emb[1:2, :].reshape(D, 1)
    r2 = emb[2:3, :].reshape(D, 1)
    for l in range(_LBLK):
        iv = inter_ref[l:l + 1, :]
        c = cont_ref[l:l + 1, :]
        sel = jnp.where(iv == 0, r0, jnp.where(iv == 1, r1, r2))
        out_i_ref[pl.ds(l * D, D), :] = sel
        s = lax.rsqrt((A * c + 2.0 * Bc) * c + C + 1e-5)
        out_c_ref[pl.ds(l * D, D), :] = w1 * (c * s) + w2 * s + betac
    mask_out_ref[...] = mask_ref[...]
    gi_out_ref[...] = gi_ref[...]


def _tc_dense(interT, contT, emb_interaction, W_cont, b_cont, ln_gamma,
              ln_beta, maskT, gi2d):
    grid = L // _LBLK
    return pl.pallas_call(
        _tc_body,
        grid=(grid,),
        in_specs=[
            pl.BlockSpec((_LBLK, B), lambda i: (i, 0)),
            pl.BlockSpec((_LBLK, B), lambda i: (i, 0)),
            pl.BlockSpec((3, D), lambda i: (0, 0)),
            pl.BlockSpec((1, D), lambda i: (0, 0)),
            pl.BlockSpec((1, D), lambda i: (0, 0)),
            pl.BlockSpec((1, D), lambda i: (0, 0)),
            pl.BlockSpec((1, D), lambda i: (0, 0)),
            pl.BlockSpec((_LBLK, B), lambda i: (i, 0)),
            pl.BlockSpec((1, B), lambda i: (0, 0)),
        ],
        out_specs=[
            pl.BlockSpec((_LBLK * D, B), lambda i: (i, 0)),
            pl.BlockSpec((_LBLK * D, B), lambda i: (i, 0)),
            pl.BlockSpec((_LBLK, B), lambda i: (i, 0)),
            pl.BlockSpec((1, B), lambda i: (0, 0)),
        ],
        out_shape=[
            jax.ShapeDtypeStruct((L * D, B), jnp.float32),
            jax.ShapeDtypeStruct((L * D, B), jnp.float32),
            jax.ShapeDtypeStruct((L, B), jnp.float32),
            jax.ShapeDtypeStruct(gi2d.shape, gi2d.dtype),
        ],
    )(interT, contT, emb_interaction, W_cont, b_cont, ln_gamma, ln_beta,
      maskT, gi2d)


def kernel(cate_0, cate_1, cate_2, target, mask, interaction, cont_0,
           gather_index, emb_interaction, emb_cate_0, emb_cate_1, emb_cate_2,
           W_cont, b_cont, ln_gamma, ln_beta):
    e0 = _sc_gather(emb_cate_0,
                    cate_0.T.reshape(_NW, _NCHUNK, _CHUNK).astype(jnp.int32))
    e1 = _sc_gather(emb_cate_1,
                    cate_1.T.reshape(_NW, _NCHUNK, _CHUNK).astype(jnp.int32))
    e2 = _sc_gather(emb_cate_2,
                    cate_2.T.reshape(_NW, _NCHUNK, _CHUNK).astype(jnp.int32))

    ei_t, ec_t, mask_t, gi_o = _tc_dense(
        interaction.T.astype(jnp.int32),
        cont_0.reshape(B, L).T,
        emb_interaction,
        W_cont.reshape(1, D),
        b_cont.reshape(1, D),
        ln_gamma.reshape(1, D),
        ln_beta.reshape(1, D),
        mask.T,
        gather_index.reshape(1, B),
    )
    ei = ei_t.reshape(L, D, B).transpose(2, 0, 1)
    ec = ec_t.reshape(L, D, B).transpose(2, 0, 1)

    e0t = _tc_transpose(e0).reshape(L, D, B).transpose(2, 0, 1)
    e1t = _tc_transpose(e1).reshape(L, D, B).transpose(2, 0, 1)
    e2t = _tc_transpose(e2).reshape(L, D, B).transpose(2, 0, 1)

    return (
        e0t,
        e1t,
        e2t,
        mask_t.T,
        ei,
        ec,
        gi_o.reshape(B),
    )

# --- scband reference (transcript-rebuilt; emitter-appended) ---
"""Pipeline reference for scband-common-module-16449724744464 (READ-ONLY COPY).

The authoritative reference and input builder live on the scoring server;
editing this copy changes nothing except your own understanding.
"""

import jax, jax.numpy as jnp
import numpy as np

B = 1024
L = 200
D = 32
V = 100001

def setup_inputs(seed: int = 0) -> dict:
    key = jax.random.key(seed)
    ks = jax.random.split(key, 16)
    inp = {}
    inp["cate_0"] = jax.random.randint(ks[0], (B, L), 0, 100000)
    inp["cate_1"] = jax.random.randint(ks[1], (B, L), 0, 100000)
    inp["cate_2"] = jax.random.randint(ks[2], (B, L), 0, 100000)
    inp["target"] = jax.random.uniform(ks[3], (B, L), dtype=jnp.float32)
    inp["mask"] = jnp.ones((B, L), dtype=jnp.float32)
    inp["interaction"] = jax.random.randint(ks[4], (B, L), 0, 3)
    inp["cont_0"] = jax.random.normal(ks[5], (B, L, 1), dtype=jnp.float32)
    inp["gather_index"] = jax.random.randint(ks[6], (B,), 0, 200)
    # learned parameters
    inp["emb_interaction"] = jax.random.normal(ks[7], (3, D), dtype=jnp.float32) * 0.02
    inp["emb_cate_0"] = jax.random.normal(ks[8], (V, D), dtype=jnp.float32) * 0.02
    inp["emb_cate_1"] = jax.random.normal(ks[9], (V, D), dtype=jnp.float32) * 0.02
    inp["emb_cate_2"] = jax.random.normal(ks[10], (V, D), dtype=jnp.float32) * 0.02
    inp["W_cont"] = jax.random.normal(ks[11], (1, D), dtype=jnp.float32) * 0.02
    inp["b_cont"] = jnp.zeros((D,), dtype=jnp.float32)
    inp["ln_gamma"] = jnp.ones((D,), dtype=jnp.float32)
    inp["ln_beta"] = jnp.zeros((D,), dtype=jnp.float32)
    return inp

def _layernorm(x, gamma, beta, eps=1e-5):
    mu = jnp.mean(x, axis=-1, keepdims=True)
    var = jnp.var(x, axis=-1, keepdims=True)
    return (x - mu) / jnp.sqrt(var + eps) * gamma + beta

def reference(cate_0, cate_1, cate_2, target, mask, interaction, cont_0, gather_index,
              emb_interaction, emb_cate_0, emb_cate_1, emb_cate_2,
              W_cont, b_cont, ln_gamma, ln_beta):
    # embed(): categorical embedding gathers (SparseCore-style lookups)
    e0 = jnp.take(emb_cate_0, cate_0, axis=0)            # [B, L, D]
    e1 = jnp.take(emb_cate_1, cate_1, axis=0)            # [B, L, D]
    e2 = jnp.take(emb_cate_2, cate_2, axis=0)            # [B, L, D]
    embed_interaction = jnp.take(emb_interaction, interaction, axis=0)  # [B, L, D]
    # continuous feature: Linear(1 -> D) + LayerNorm(D)
    h = jnp.matmul(cont_0, W_cont) + b_cont              # [B, L, D]
    h = _layernorm(h, ln_gamma, ln_beta)
    embed_cont = jnp.concatenate([h], axis=2).reshape(B, L, -1)
    return (e0, e1, e2, mask, embed_interaction, embed_cont, gather_index)

if __name__ == "__main__":
    import jax
    _d = setup_inputs()
    print(jax.jit(kernel)(*tuple(_d.values())))

</pallas_src>

<mosaic_0001>
#map = affine_map<(d0, d1) -> (0, 0)>
#map1 = affine_map<(d0, d1) -> (0, 0, 0)>
module attributes {stable_mosaic.version = 14 : i64} {
  func.func @k(%arg0: i32, %arg1: i32, %arg2: memref<100001x32xf32, #tpu.memory_space<hbm>>, %arg3: memref<32x50x128xi32, #tpu.memory_space<hbm>>, %arg4: memref<204800x32xf32, #tpu.memory_space<hbm>>, %arg5: memref<50x128xi32, #tpu.memory_space<vmem>>, %arg6: memref<128x32xf32, #tpu.memory_space<vmem>>, %arg7: memref<128x32xf32, #tpu.memory_space<vmem>>, %arg8: memref<!tpu.dma_semaphore, #tpu.memory_space<semaphore_mem>>, %arg9: memref<!tpu.dma_semaphore, #tpu.memory_space<semaphore_mem>>) attributes {dimension_semantics = [#tpu.dimension_semantics<core_parallel>, #tpu.dimension_semantics<subcore_parallel>], iteration_bounds = array<i64: 2, 16>, scalar_prefetch = 0 : i64, scratch_operands = 5 : i64, tpu.core_type = #tpu.core_type<sc_vector_subcore>, window_params = [{transform_indices = #map}, {transform_indices = #map1}, {transform_indices = #map}]} {
    %mul3A = arith.constant 2 : i32
    %mul3A_0 = arith.muli %arg1, %mul3A : i32
    %add3A = arith.addi %mul3A_0, %arg0 : i32
    "tpu.region"() ({
      %run_scoped3A = tpu.sem_alloc : memref<!tpu.dma_semaphore, #tpu.memory_space<semaphore_mem>>
      %dma_start3A_38 = arith.constant 0 : i32
      %dma_start3A_39 = arith.constant 0 : i32
      %dma_start3A_40 = tpu.memref_slice %arg3[%add3A, %dma_start3A_38, %dma_start3A_39] : memref<32x50x128xi32, #tpu.memory_space<hbm>> -> memref<1x50x128xi32, #tpu.memory_space<hbm>>
      %dma_start3A_41 = tpu.memref_squeeze %dma_start3A_40 : memref<1x50x128xi32, #tpu.memory_space<hbm>> -> memref<50x128xi32, #tpu.memory_space<hbm>>
      %dma_start3A_42 = arith.constant 0 : i32
      %dma_start3A_43 = arith.constant 0 : i32
      %dma_start3A_44 = tpu.memref_slice %arg3[%add3A, %dma_start3A_42, %dma_start3A_43] : memref<32x50x128xi32, #tpu.memory_space<hbm>> -> memref<1x50x128xi32, #tpu.memory_space<hbm>>
      %dma_start3A_45 = tpu.memref_squeeze %dma_start3A_44 : memref<1x50x128xi32, #tpu.memory_space<hbm>> -> memref<50x128xi32, #tpu.memory_space<hbm>>
      tpu.enqueue_dma source(%dma_start3A_45 : memref<50x128xi32, #tpu.memory_space<hbm>>) target(%arg5 : memref<50x128xi32, #tpu.memory_space<vmem>>) target_semaphore(%run_scoped3A : memref<!tpu.dma_semaphore, #tpu.memory_space<semaphore_mem>>)
      %dma_wait3A_46 = arith.constant 0 : i32
      %dma_wait3A_47 = arith.constant 0 : i32
      %dma_wait3A_48 = tpu.memref_slice %arg3[%add3A, %dma_wait3A_46, %dma_wait3A_47] : memref<32x50x128xi32, #tpu.memory_space<hbm>> -> memref<1x50x128xi32, #tpu.memory_space<hbm>>
      %dma_wait3A_49 = tpu.memref_squeeze %dma_wait3A_48 : memref<1x50x128xi32, #tpu.memory_space<hbm>> -> memref<50x128xi32, #tpu.memory_space<hbm>>
      %dma_wait3A_50 = arith.constant 0 : i32
      %dma_wait3A_51 = arith.constant 0 : i32
      %dma_wait3A_52 = tpu.memref_slice %arg3[%add3A, %dma_wait3A_50, %dma_wait3A_51] : memref<32x50x128xi32, #tpu.memory_space<hbm>> -> memref<1x50x128xi32, #tpu.memory_space<hbm>>
      %dma_wait3A_53 = tpu.memref_squeeze %dma_wait3A_52 : memref<1x50x128xi32, #tpu.memory_space<hbm>> -> memref<50x128xi32, #tpu.memory_space<hbm>>
      tpu.wait_dma2 semaphore(%run_scoped3A : memref<!tpu.dma_semaphore, #tpu.memory_space<semaphore_mem>>) src(%dma_wait3A_53 : memref<50x128xi32, #tpu.memory_space<hbm>>) dst(%arg5 : memref<50x128xi32, #tpu.memory_space<vmem>>)
      tpu.yield
    }) : () -> ()
    %mul3A_1 = arith.constant 6400 : i32
    %mul3A_2 = arith.muli %add3A, %mul3A_1 : i32
    %dma_start3A = arith.constant 0 : i32
    %dma_start3A_3 = arith.constant 0 : i32
    %dma_start3A_4 = tpu.memref_slice %arg5[%dma_start3A, %dma_start3A_3] : memref<50x128xi32, #tpu.memory_space<vmem>> -> memref<1x128xi32, #tpu.memory_space<vmem>>
    %dma_start3A_5 = tpu.memref_squeeze %dma_start3A_4 : memref<1x128xi32, #tpu.memory_space<vmem>> -> memref<128xi32, #tpu.memory_space<vmem>>
    %dma_start3A_6 = arith.constant 0 : i32
    %dma_start3A_7 = arith.constant 0 : i32
    %dma_start3A_8 = tpu.memref_slice %arg2[%dma_start3A_6, %dma_start3A_7] : memref<100001x32xf32, #tpu.memory_space<hbm>> -> memref<100001x32xf32, #tpu.memory_space<hbm>>
    tpu.enqueue_indirect_dma source(%dma_start3A_8 : memref<100001x32xf32, #tpu.memory_space<hbm>>) target(%arg6 : memref<128x32xf32, #tpu.memory_space<vmem>>) offsets(%dma_start3A_5 : memref<128xi32, #tpu.memory_space<vmem>>) semaphore(%arg8 : memref<!tpu.dma_semaphore, #tpu.memory_space<semaphore_mem>>)
    %dma_start3A_9 = arith.constant 1 : i32
    %dma_start3A_10 = arith.constant 0 : i32
    %dma_start3A_11 = tpu.memref_slice %arg5[%dma_start3A_9, %dma_start3A_10] : memref<50x128xi32, #tpu.memory_space<vmem>> -> memref<1x128xi32, #tpu.memory_space<vmem>>
    %dma_start3A_12 = tpu.memref_squeeze %dma_start3A_11 : memref<1x128xi32, #tpu.memory_space<vmem>> -> memref<128xi32, #tpu.memory_space<vmem>>
    %dma_start3A_13 = arith.constant 0 : i32
    %dma_start3A_14 = arith.constant 0 : i32
    %dma_start3A_15 = tpu.memref_slice %arg2[%dma_start3A_13, %dma_start3A_14] : memref<100001x32xf32, #tpu.memory_space<hbm>> -> memref<100001x32xf32, #tpu.memory_space<hbm>>
    tpu.enqueue_indirect_dma source(%dma_start3A_15 : memref<100001x32xf32, #tpu.memory_space<hbm>>) target(%arg7 : memref<128x32xf32, #tpu.memory_space<vmem>>) offsets(%dma_start3A_12 : memref<128xi32, #tpu.memory_space<vmem>>) semaphore(%arg9 : memref<!tpu.dma_semaphore, #tpu.memory_space<semaphore_mem>>)
    %scan3A = arith.constant 0 : i32
    %scan3A_16 = arith.constant 0 : i32
    %scan3A_17 = arith.constant 24 : i32
    %scan3A_18 = arith.addi %scan3A_16, %scan3A_17 : i32
    %scan3A_19 = arith.constant 1 : i32
    scf.for %scan3A_38 = %scan3A_16 to %scan3A_18 step %scan3A_19  : i32 {
      %mul3A_39 = arith.constant 2 : i32
      %mul3A_40 = arith.muli %mul3A_39, %scan3A_38 : i32
      %dma_wait3A_41 = arith.constant 0 : i32
      %dma_wait3A_42 = tpu.memref_slice %arg5[%mul3A_40, %dma_wait3A_41] : memref<50x128xi32, #tpu.memory_space<vmem>> -> memref<1x128xi32, #tpu.memory_space<vmem>>
      %dma_wait3A_43 = tpu.memref_squeeze %dma_wait3A_42 : memref<1x128xi32, #tpu.memory_space<vmem>> -> memref<128xi32, #tpu.memory_space<vmem>>
      %dma_wait3A_44 = arith.constant 0 : i32
      %dma_wait3A_45 = arith.constant 0 : i32
      %dma_wait3A_46 = tpu.memref_slice %arg2[%dma_wait3A_44, %dma_wait3A_45] : memref<100001x32xf32, #tpu.memory_space<hbm>> -> memref<100001x32xf32, #tpu.memory_space<hbm>>
      tpu.wait_indirect_dma semaphore(%arg8 : memref<!tpu.dma_semaphore, #tpu.memory_space<semaphore_mem>>) src(%dma_wait3A_46 : memref<100001x32xf32, #tpu.memory_space<hbm>>) dst(%arg6 : memref<128x32xf32, #tpu.memory_space<vmem>>)
      %mul3A_47 = arith.constant 128 : i32
      %mul3A_48 = arith.muli %mul3A_40, %mul3A_47 : i32
      %add3A_49 = arith.addi %mul3A_2, %mul3A_48 : i32
      "tpu.region"() ({
        %run_scoped3A = tpu.sem_alloc : memref<!tpu.dma_semaphore, #tpu.memory_space<semaphore_mem>>
        %dma_start3A_77 = arith.constant 0 : i32
        %dma_start3A_78 = tpu.memref_slice %arg4[%add3A_49, %dma_start3A_77] : memref<204800x32xf32, #tpu.memory_space<hbm>> -> memref<128x32xf32, #tpu.memory_space<hbm>>
        %dma_start3A_79 = arith.constant 0 : i32
        %dma_start3A_80 = tpu.memref_slice %arg4[%add3A_49, %dma_start3A_79] : memref<204800x32xf32, #tpu.memory_space<hbm>> -> memref<128x32xf32, #tpu.memory_space<hbm>>
        tpu.enqueue_dma source(%arg6 : memref<128x32xf32, #tpu.memory_space<vmem>>) target(%dma_start3A_80 : memref<128x32xf32, #tpu.memory_space<hbm>>) target_semaphore(%run_scoped3A : memref<!tpu.dma_semaphore, #tpu.memory_space<semaphore_mem>>)
        %dma_wait3A_81 = arith.constant 0 : i32
        %dma_wait3A_82 = tpu.memref_slice %arg4[%add3A_49, %dma_wait3A_81] : memref<204800x32xf32, #tpu.memory_space<hbm>> -> memref<128x32xf32, #tpu.memory_space<hbm>>
        %dma_wait3A_83 = arith.constant 0 : i32
        %dma_wait3A_84 = tpu.memref_slice %arg4[%add3A_49, %dma_wait3A_83] : memref<204800x32xf32, #tpu.memory_space<hbm>> -> memref<128x32xf32, #tpu.memory_space<hbm>>
        tpu.wait_dma2 semaphore(%run_scoped3A : memref<!tpu.dma_semaphore, #tpu.memory_space<semaphore_mem>>) src(%arg6 : memref<128x32xf32, #tpu.memory_space<vmem>>) dst(%dma_wait3A_84 : memref<128x32xf32, #tpu.memory_space<hbm>>)
        tpu.yield
      }) : () -> ()
      %add3A_50 = arith.constant 2 : i32
      %add3A_51 = arith.addi %mul3A_40, %add3A_50 : i32
      %dma_start3A_52 = arith.constant 0 : i32
      %dma_start3A_53 = tpu.memref_slice %arg5[%add3A_51, %dma_start3A_52] : memref<50x128xi32, #tpu.memory_space<vmem>> -> memref<1x128xi32, #tpu.memory_space<vmem>>
      %dma_start3A_54 = tpu.memref_squeeze %dma_start3A_53 : memref<1x128xi32, #tpu.memory_space<vmem>> -> memref<128xi32, #tpu.memory_space<vmem>>
      %dma_start3A_55 = arith.constant 0 : i32
      %dma_start3A_56 = arith.constant 0 : i32
      %dma_start3A_57 = tpu.memref_slice %arg2[%dma_start3A_55, %dma_start3A_56] : memref<100001x32xf32, #tpu.memory_space<hbm>> -> memref<100001x32xf32, #tpu.memory_space<hbm>>
      tpu.enqueue_indirect_dma source(%dma_start3A_57 : memref<100001x32xf32, #tpu.memory_space<hbm>>) target(%arg6 : memref<128x32xf32, #tpu.memory_space<vmem>>) offsets(%dma_start3A_54 : memref<128xi32, #tpu.memory_space<vmem>>) semaphore(%arg8 : memref<!tpu.dma_semaphore, #tpu.memory_space<semaphore_mem>>)
      %add3A_58 = arith.constant 1 : i32
      %add3A_59 = arith.addi %mul3A_40, %add3A_58 : i32
      %dma_wait3A_60 = arith.constant 0 : i32
      %dma_wait3A_61 = tpu.memref_slice %arg5[%add3A_59, %dma_wait3A_60] : memref<50x128xi32, #tpu.memory_space<vmem>> -> memref<1x128xi32, #tpu.memory_space<vmem>>
      %dma_wait3A_62 = tpu.memref_squeeze %dma_wait3A_61 : memref<1x128xi32, #tpu.memory_space<vmem>> -> memref<128xi32, #tpu.memory_space<vmem>>
      %dma_wait3A_63 = arith.constant 0 : i32
      %dma_wait3A_64 = arith.constant 0 : i32
      %dma_wait3A_65 = tpu.memref_slice %arg2[%dma_wait3A_63, %dma_wait3A_64] : memref<100001x32xf32, #tpu.memory_space<hbm>> -> memref<100001x32xf32, #tpu.memory_space<hbm>>
      tpu.wait_indirect_dma semaphore(%arg9 : memref<!tpu.dma_semaphore, #tpu.memory_space<semaphore_mem>>) src(%dma_wait3A_65 : memref<100001x32xf32, #tpu.memory_space<hbm>>) dst(%arg7 : memref<128x32xf32, #tpu.memory_space<vmem>>)
      %mul3A_66 = arith.constant 128 : i32
      %mul3A_67 = arith.muli %add3A_59, %mul3A_66 : i32
      %add3A_68 = arith.addi %mul3A_2, %mul3A_67 : i32
      "tpu.region"() ({
        %run_scoped3A = tpu.sem_alloc : memref<!tpu.dma_semaphore, #tpu.memory_space<semaphore_mem>>
        %dma_start3A_77 = arith.constant 0 : i32
        %dma_start3A_78 = tpu.memref_slice %arg4[%add3A_68, %dma_start3A_77] : memref<204800x32xf32, #tpu.memory_space<hbm>> -> memref<128x32xf32, #tpu.memory_space<hbm>>
        %dma_start3A_79 = arith.constant 0 : i32
        %dma_start3A_80 = tpu.memref_slice %arg4[%add3A_68, %dma_start3A_79] : memref<204800x32xf32, #tpu.memory_space<hbm>> -> memref<128x32xf32, #tpu.memory_space<hbm>>
        tpu.enqueue_dma source(%arg7 : memref<128x32xf32, #tpu.memory_space<vmem>>) target(%dma_start3A_80 : memref<128x32xf32, #tpu.memory_space<hbm>>) target_semaphore(%run_scoped3A : memref<!tpu.dma_semaphore, #tpu.memory_space<semaphore_mem>>)
        %dma_wait3A_81 = arith.constant 0 : i32
        %dma_wait3A_82 = tpu.memref_slice %arg4[%add3A_68, %dma_wait3A_81] : memref<204800x32xf32, #tpu.memory_space<hbm>> -> memref<128x32xf32, #tpu.memory_space<hbm>>
        %dma_wait3A_83 = arith.constant 0 : i32
        %dma_wait3A_84 = tpu.memref_slice %arg4[%add3A_68, %dma_wait3A_83] : memref<204800x32xf32, #tpu.memory_space<hbm>> -> memref<128x32xf32, #tpu.memory_space<hbm>>
        tpu.wait_dma2 semaphore(%run_scoped3A : memref<!tpu.dma_semaphore, #tpu.memory_space<semaphore_mem>>) src(%arg7 : memref<128x32xf32, #tpu.memory_space<vmem>>) dst(%dma_wait3A_84 : memref<128x32xf32, #tpu.memory_space<hbm>>)
        tpu.yield
      }) : () -> ()
      %add3A_69 = arith.constant 2 : i32
      %add3A_70 = arith.addi %add3A_59, %add3A_69 : i32
      %dma_start3A_71 = arith.constant 0 : i32
      %dma_start3A_72 = tpu.memref_slice %arg5[%add3A_70, %dma_start3A_71] : memref<50x128xi32, #tpu.memory_space<vmem>> -> memref<1x128xi32, #tpu.memory_space<vmem>>
      %dma_start3A_73 = tpu.memref_squeeze %dma_start3A_72 : memref<1x128xi32, #tpu.memory_space<vmem>> -> memref<128xi32, #tpu.memory_space<vmem>>
      %dma_start3A_74 = arith.constant 0 : i32
      %dma_start3A_75 = arith.constant 0 : i32
      %dma_start3A_76 = tpu.memref_slice %arg2[%dma_start3A_74, %dma_start3A_75] : memref<100001x32xf32, #tpu.memory_space<hbm>> -> memref<100001x32xf32, #tpu.memory_space<hbm>>
      tpu.enqueue_indirect_dma source(%dma_start3A_76 : memref<100001x32xf32, #tpu.memory_space<hbm>>) target(%arg7 : memref<128x32xf32, #tpu.memory_space<vmem>>) offsets(%dma_start3A_73 : memref<128xi32, #tpu.memory_space<vmem>>) semaphore(%arg9 : memref<!tpu.dma_semaphore, #tpu.memory_space<semaphore_mem>>)
    }
    %scan3A_20 = arith.constant 24 : i32
    %dma_wait3A = arith.constant 48 : i32
    %dma_wait3A_21 = arith.constant 0 : i32
    %dma_wait3A_22 = tpu.memref_slice %arg5[%dma_wait3A, %dma_wait3A_21] : memref<50x128xi32, #tpu.memory_space<vmem>> -> memref<1x128xi32, #tpu.memory_space<vmem>>
    %dma_wait3A_23 = tpu.memref_squeeze %dma_wait3A_22 : memref<1x128xi32, #tpu.memory_space<vmem>> -> memref<128xi32, #tpu.memory_space<vmem>>
    %dma_wait3A_24 = arith.constant 0 : i32
    %dma_wait3A_25 = arith.constant 0 : i32
    %dma_wait3A_26 = tpu.memref_slice %arg2[%dma_wait3A_24, %dma_wait3A_25] : memref<100001x32xf32, #tpu.memory_space<hbm>> -> memref<100001x32xf32, #tpu.memory_space<hbm>>
    tpu.wait_indirect_dma semaphore(%arg8 : memref<!tpu.dma_semaphore, #tpu.memory_space<semaphore_mem>>) src(%dma_wait3A_26 : memref<100001x32xf32, #tpu.memory_space<hbm>>) dst(%arg6 : memref<128x32xf32, #tpu.memory_space<vmem>>)
    %add3A_27 = arith.constant 6144 : i32
    %add3A_28 = arith.addi %mul3A_2, %add3A_27 : i32
    "tpu.region"() ({
      %run_scoped3A = tpu.sem_alloc : memref<!tpu.dma_semaphore, #tpu.memory_space<semaphore_mem>>
      %dma_start3A_38 = arith.constant 0 : i32
      %dma_start3A_39 = tpu.memref_slice %arg4[%add3A_28, %dma_start3A_38] : memref<204800x32xf32, #tpu.memory_space<hbm>> -> memref<128x32xf32, #tpu.memory_space<hbm>>
      %dma_start3A_40 = arith.constant 0 : i32
      %dma_start3A_41 = tpu.memref_slice %arg4[%add3A_28, %dma_start3A_40] : memref<204800x32xf32, #tpu.memory_space<hbm>> -> memref<128x32xf32, #tpu.memory_space<hbm>>
      tpu.enqueue_dma source(%arg6 : memref<128x32xf32, #tpu.memory_space<vmem>>) target(%dma_start3A_41 : memref<128x32xf32, #tpu.memory_space<hbm>>) target_semaphore(%run_scoped3A : memref<!tpu.dma_semaphore, #tpu.memory_space<semaphore_mem>>)
      %dma_wait3A_42 = arith.constant 0 : i32
      %dma_wait3A_43 = tpu.memref_slice %arg4[%add3A_28, %dma_wait3A_42] : memref<204800x32xf32, #tpu.memory_space<hbm>> -> memref<128x32xf32, #tpu.memory_space<hbm>>
      %dma_wait3A_44 = arith.constant 0 : i32
      %dma_wait3A_45 = tpu.memref_slice %arg4[%add3A_28, %dma_wait3A_44] : memref<204800x32xf32, #tpu.memory_space<hbm>> -> memref<128x32xf32, #tpu.memory_space<hbm>>
      tpu.wait_dma2 semaphore(%run_scoped3A : memref<!tpu.dma_semaphore, #tpu.memory_space<semaphore_mem>>) src(%arg6 : memref<128x32xf32, #tpu.memory_space<vmem>>) dst(%dma_wait3A_45 : memref<128x32xf32, #tpu.memory_space<hbm>>)
      tpu.yield
    }) : () -> ()
    %dma_wait3A_29 = arith.constant 49 : i32
    %dma_wait3A_30 = arith.constant 0 : i32
    %dma_wait3A_31 = tpu.memref_slice %arg5[%dma_wait3A_29, %dma_wait3A_30] : memref<50x128xi32, #tpu.memory_space<vmem>> -> memref<1x128xi32, #tpu.memory_space<vmem>>
    %dma_wait3A_32 = tpu.memref_squeeze %dma_wait3A_31 : memref<1x128xi32, #tpu.memory_space<vmem>> -> memref<128xi32, #tpu.memory_space<vmem>>
    %dma_wait3A_33 = arith.constant 0 : i32
    %dma_wait3A_34 = arith.constant 0 : i32
    %dma_wait3A_35 = tpu.memref_slice %arg2[%dma_wait3A_33, %dma_wait3A_34] : memref<100001x32xf32, #tpu.memory_space<hbm>> -> memref<100001x32xf32, #tpu.memory_space<hbm>>
    tpu.wait_indirect_dma semaphore(%arg9 : memref<!tpu.dma_semaphore, #tpu.memory_space<semaphore_mem>>) src(%dma_wait3A_35 : memref<100001x32xf32, #tpu.memory_space<hbm>>) dst(%arg7 : memref<128x32xf32, #tpu.memory_space<vmem>>)
    %add3A_36 = arith.constant 6272 : i32
    %add3A_37 = arith.addi %mul3A_2, %add3A_36 : i32
    "tpu.region"() ({
      %run_scoped3A = tpu.sem_alloc : memref<!tpu.dma_semaphore, #tpu.memory_space<semaphore_mem>>
      %dma_start3A_38 = arith.constant 0 : i32
      %dma_start3A_39 = tpu.memref_slice %arg4[%add3A_37, %dma_start3A_38] : memref<204800x32xf32, #tpu.memory_space<hbm>> -> memref<128x32xf32, #tpu.memory_space<hbm>>
      %dma_start3A_40 = arith.constant 0 : i32
      %dma_start3A_41 = tpu.memref_slice %arg4[%add3A_37, %dma_start3A_40] : memref<204800x32xf32, #tpu.memory_space<hbm>> -> memref<128x32xf32, #tpu.memory_space<hbm>>
      tpu.enqueue_dma source(%arg7 : memref<128x32xf32, #tpu.memory_space<vmem>>) target(%dma_start3A_41 : memref<128x32xf32, #tpu.memory_space<hbm>>) target_semaphore(%run_scoped3A : memref<!tpu.dma_semaphore, #tpu.memory_space<semaphore_mem>>)
      %dma_wait3A_42 = arith.constant 0 : i32
      %dma_wait3A_43 = tpu.memref_slice %arg4[%add3A_37, %dma_wait3A_42] : memref<204800x32xf32, #tpu.memory_space<hbm>> -> memref<128x32xf32, #tpu.memory_space<hbm>>
      %dma_wait3A_44 = arith.constant 0 : i32
      %dma_wait3A_45 = tpu.memref_slice %arg4[%add3A_37, %dma_wait3A_44] : memref<204800x32xf32, #tpu.memory_space<hbm>> -> memref<128x32xf32, #tpu.memory_space<hbm>>
      tpu.wait_dma2 semaphore(%run_scoped3A : memref<!tpu.dma_semaphore, #tpu.memory_space<semaphore_mem>>) src(%arg7 : memref<128x32xf32, #tpu.memory_space<vmem>>) dst(%dma_wait3A_45 : memref<128x32xf32, #tpu.memory_space<hbm>>)
      tpu.yield
    }) : () -> ()
    return
  }
}

#map = affine_map<(d0, d1) -> (0, 0)>
#map1 = affine_map<(d0, d1) -> (0, 0, 0)>
module attributes {stable_mosaic.version = 14 : i64} {
  func.func @k(%arg0: i32, %arg1: i32, %arg2: memref<100001x32xf32, #tpu.memory_space<hbm>>, %arg3: memref<32x50x128xi32, #tpu.memory_space<hbm>>, %arg4: memref<204800x32xf32, #tpu.memory_space<hbm>>, %arg5: memref<50x128xi32, #tpu.memory_space<vmem>>, %arg6: memref<128x32xf32, #tpu.memory_space<vmem>>, %arg7: memref<128x32xf32, #tpu.memory_space<vmem>>, %arg8: memref<!tpu.dma_semaphore, #tpu.memory_space<semaphore_mem>>, %arg9: memref<!tpu.dma_semaphore, #tpu.memory_space<semaphore_mem>>) attributes {dimension_semantics = [#tpu.dimension_semantics<core_parallel>, #tpu.dimension_semantics<subcore_parallel>], iteration_bounds = array<i64: 2, 16>, scalar_prefetch = 0 : i64, scratch_operands = 5 : i64, tpu.core_type = #tpu.core_type<sc_vector_subcore>, window_params = [{transform_indices = #map}, {transform_indices = #map1}, {transform_indices = #map}]} {
    %mul3A = arith.constant 2 : i32
    %mul3A_0 = arith.muli %arg1, %mul3A : i32
    %add3A = arith.addi %mul3A_0, %arg0 : i32
    "tpu.region"() ({
      %run_scoped3A = tpu.sem_alloc : memref<!tpu.dma_semaphore, #tpu.memory_space<semaphore_mem>>
      %dma_start3A_38 = arith.constant 0 : i32
      %dma_start3A_39 = arith.constant 0 : i32
      %dma_start3A_40 = tpu.memref_slice %arg3[%add3A, %dma_start3A_38, %dma_start3A_39] : memref<32x50x128xi32, #tpu.memory_space<hbm>> -> memref<1x50x128xi32, #tpu.memory_space<hbm>>
      %dma_start3A_41 = tpu.memref_squeeze %dma_start3A_40 : memref<1x50x128xi32, #tpu.memory_space<hbm>> -> memref<50x128xi32, #tpu.memory_space<hbm>>
      %dma_start3A_42 = arith.constant 0 : i32
      %dma_start3A_43 = arith.constant 0 : i32
      %dma_start3A_44 = tpu.memref_slice %arg3[%add3A, %dma_start3A_42, %dma_start3A_43] : memref<32x50x128xi32, #tpu.memory_space<hbm>> -> memref<1x50x128xi32, #tpu.memory_space<hbm>>
      %dma_start3A_45 = tpu.memref_squeeze %dma_start3A_44 : memref<1x50x128xi32, #tpu.memory_space<hbm>> -> memref<50x128xi32, #tpu.memory_space<hbm>>
      tpu.enqueue_dma source(%dma_start3A_45 : memref<50x128xi32, #tpu.memory_space<hbm>>) target(%arg5 : memref<50x128xi32, #tpu.memory_space<vmem>>) target_semaphore(%run_scoped3A : memref<!tpu.dma_semaphore, #tpu.memory_space<semaphore_mem>>)
      %dma_wait3A_46 = arith.constant 0 : i32
      %dma_wait3A_47 = arith.constant 0 : i32
      %dma_wait3A_48 = tpu.memref_slice %arg3[%add3A, %dma_wait3A_46, %dma_wait3A_47] : memref<32x50x128xi32, #tpu.memory_space<hbm>> -> memref<1x50x128xi32, #tpu.memory_space<hbm>>
      %dma_wait3A_49 = tpu.memref_squeeze %dma_wait3A_48 : memref<1x50x128xi32, #tpu.memory_space<hbm>> -> memref<50x128xi32, #tpu.memory_space<hbm>>
      %dma_wait3A_50 = arith.constant 0 : i32
      %dma_wait3A_51 = arith.constant 0 : i32
      %dma_wait3A_52 = tpu.memref_slice %arg3[%add3A, %dma_wait3A_50, %dma_wait3A_51] : memref<32x50x128xi32, #tpu.memory_space<hbm>> -> memref<1x50x128xi32, #tpu.memory_space<hbm>>
      %dma_wait3A_53 = tpu.memref_squeeze %dma_wait3A_52 : memref<1x50x128xi32, #tpu.memory_space<hbm>> -> memref<50x128xi32, #tpu.memory_space<hbm>>
      tpu.wait_dma2 semaphore(%run_scoped3A : memref<!tpu.dma_semaphore, #tpu.memory_space<semaphore_mem>>) src(%dma_wait3A_53 : memref<50x128xi32, #tpu.memory_space<hbm>>) dst(%arg5 : memref<50x128xi32, #tpu.memory_space<vmem>>)
      tpu.yield
    }) : () -> ()
    %mul3A_1 = arith.constant 6400 : i32
    %mul3A_2 = arith.muli %add3A, %mul3A_1 : i32
    %dma_start3A = arith.constant 0 : i32
    %dma_start3A_3 = arith.constant 0 : i32
    %dma_start3A_4 = tpu.memref_slice %arg5[%dma_start3A, %dma_start3A_3] : memref<50x128xi32, #tpu.memory_space<vmem>> -> memref<1x128xi32, #tpu.memory_space<vmem>>
    %dma_start3A_5 = tpu.memref_squeeze %dma_start3A_4 : memref<1x128xi32, #tpu.memory_space<vmem>> -> memref<128xi32, #tpu.memory_space<vmem>>
    %dma_start3A_6 = arith.constant 0 : i32
    %dma_start3A_7 = arith.constant 0 : i32
    %dma_start3A_8 = tpu.memref_slice %arg2[%dma_start3A_6, %dma_start3A_7] : memref<100001x32xf32, #tpu.memory_space<hbm>> -> memref<100001x32xf32, #tpu.memory_space<hbm>>
    tpu.enqueue_indirect_dma source(%dma_start3A_8 : memref<100001x32xf32, #tpu.memory_space<hbm>>) target(%arg6 : memref<128x32xf32, #tpu.memory_space<vmem>>) offsets(%dma_start3A_5 : memref<128xi32, #tpu.memory_space<vmem>>) semaphore(%arg8 : memref<!tpu.dma_semaphore, #tpu.memory_space<semaphore_mem>>)
    %dma_start3A_9 = arith.constant 1 : i32
    %dma_start3A_10 = arith.constant 0 : i32
    %dma_start3A_11 = tpu.memref_slice %arg5[%dma_start3A_9, %dma_start3A_10] : memref<50x128xi32, #tpu.memory_space<vmem>> -> memref<1x128xi32, #tpu.memory_space<vmem>>
    %dma_start3A_12 = tpu.memref_squeeze %dma_start3A_11 : memref<1x128xi32, #tpu.memory_space<vmem>> -> memref<128xi32, #tpu.memory_space<vmem>>
    %dma_start3A_13 = arith.constant 0 : i32
    %dma_start3A_14 = arith.constant 0 : i32
    %dma_start3A_15 = tpu.memref_slice %arg2[%dma_start3A_13, %dma_start3A_14] : memref<100001x32xf32, #tpu.memory_space<hbm>> -> memref<100001x32xf32, #tpu.memory_space<hbm>>
    tpu.enqueue_indirect_dma source(%dma_start3A_15 : memref<100001x32xf32, #tpu.memory_space<hbm>>) target(%arg7 : memref<128x32xf32, #tpu.memory_space<vmem>>) offsets(%dma_start3A_12 : memref<128xi32, #tpu.memory_space<vmem>>) semaphore(%arg9 : memref<!tpu.dma_semaphore, #tpu.memory_space<semaphore_mem>>)
    %scan3A = arith.constant 0 : i32
    %scan3A_16 = arith.constant 0 : i32
    %scan3A_17 = arith.constant 24 : i32
    %scan3A_18 = arith.addi %scan3A_16, %scan3A_17 : i32
    %scan3A_19 = arith.constant 1 : i32
    scf.for %scan3A_38 = %scan3A_16 to %scan3A_18 step %scan3A_19  : i32 {
      %mul3A_39 = arith.constant 2 : i32
      %mul3A_40 = arith.muli %mul3A_39, %scan3A_38 : i32
      %dma_wait3A_41 = arith.constant 0 : i32
      %dma_wait3A_42 = tpu.memref_slice %arg5[%mul3A_40, %dma_wait3A_41] : memref<50x128xi32, #tpu.memory_space<vmem>> -> memref<1x128xi32, #tpu.memory_space<vmem>>
      %dma_wait3A_43 = tpu.memref_squeeze %dma_wait3A_42 : memref<1x128xi32, #tpu.memory_space<vmem>> -> memref<128xi32, #tpu.memory_space<vmem>>
      %dma_wait3A_44 = arith.constant 0 : i32
      %dma_wait3A_45 = arith.constant 0 : i32
      %dma_wait3A_46 = tpu.memref_slice %arg2[%dma_wait3A_44, %dma_wait3A_45] : memref<100001x32xf32, #tpu.memory_space<hbm>> -> memref<100001x32xf32, #tpu.memory_space<hbm>>
      tpu.wait_indirect_dma semaphore(%arg8 : memref<!tpu.dma_semaphore, #tpu.memory_space<semaphore_mem>>) src(%dma_wait3A_46 : memref<100001x32xf32, #tpu.memory_space<hbm>>) dst(%arg6 : memref<128x32xf32, #tpu.memory_space<vmem>>)
      %mul3A_47 = arith.constant 128 : i32
      %mul3A_48 = arith.muli %mul3A_40, %mul3A_47 : i32
      %add3A_49 = arith.addi %mul3A_2, %mul3A_48 : i32
      "tpu.region"() ({
        %run_scoped3A = tpu.sem_alloc : memref<!tpu.dma_semaphore, #tpu.memory_space<semaphore_mem>>
        %dma_start3A_77 = arith.constant 0 : i32
        %dma_start3A_78 = tpu.memref_slice %arg4[%add3A_49, %dma_start3A_77] : memref<204800x32xf32, #tpu.memory_space<hbm>> -> memref<128x32xf32, #tpu.memory_space<hbm>>
        %dma_start3A_79 = arith.constant 0 : i32
        %dma_start3A_80 = tpu.memref_slice %arg4[%add3A_49, %dma_start3A_79] : memref<204800x32xf32, #tpu.memory_space<hbm>> -> memref<128x32xf32, #tpu.memory_space<hbm>>
        tpu.enqueue_dma source(%arg6 : memref<128x32xf32, #tpu.memory_space<vmem>>) target(%dma_start3A_80 : memref<128x32xf32, #tpu.memory_space<hbm>>) target_semaphore(%run_scoped3A : memref<!tpu.dma_semaphore, #tpu.memory_space<semaphore_mem>>)
        %dma_wait3A_81 = arith.constant 0 : i32
        %dma_wait3A_82 = tpu.memref_slice %arg4[%add3A_49, %dma_wait3A_81] : memref<204800x32xf32, #tpu.memory_space<hbm>> -> memref<128x32xf32, #tpu.memory_space<hbm>>
        %dma_wait3A_83 = arith.constant 0 : i32
        %dma_wait3A_84 = tpu.memref_slice %arg4[%add3A_49, %dma_wait3A_83] : memref<204800x32xf32, #tpu.memory_space<hbm>> -> memref<128x32xf32, #tpu.memory_space<hbm>>
        tpu.wait_dma2 semaphore(%run_scoped3A : memref<!tpu.dma_semaphore, #tpu.memory_space<semaphore_mem>>) src(%arg6 : memref<128x32xf32, #tpu.memory_space<vmem>>) dst(%dma_wait3A_84 : memref<128x32xf32, #tpu.memory_space<hbm>>)
        tpu.yield
      }) : () -> ()
      %add3A_50 = arith.constant 2 : i32
      %add3A_51 = arith.addi %mul3A_40, %add3A_50 : i32
      %dma_start3A_52 = arith.constant 0 : i32
      %dma_start3A_53 = tpu.memref_slice %arg5[%add3A_51, %dma_start3A_52] : memref<50x128xi32, #tpu.memory_space<vmem>> -> memref<1x128xi32, #tpu.memory_space<vmem>>
      %dma_start3A_54 = tpu.memref_squeeze %dma_start3A_53 : memref<1x128xi32, #tpu.memory_space<vmem>> -> memref<128xi32, #tpu.memory_space<vmem>>
      %dma_start3A_55 = arith.constant 0 : i32
      %dma_start3A_56 = arith.constant 0 : i32
      %dma_start3A_57 = tpu.memref_slice %arg2[%dma_start3A_55, %dma_start3A_56] : memref<100001x32xf32, #tpu.memory_space<hbm>> -> memref<100001x32xf32, #tpu.memory_space<hbm>>
      tpu.enqueue_indirect_dma source(%dma_start3A_57 : memref<100001x32xf32, #tpu.memory_space<hbm>>) target(%arg6 : memref<128x32xf32, #tpu.memory_space<vmem>>) offsets(%dma_start3A_54 : memref<128xi32, #tpu.memory_space<vmem>>) semaphore(%arg8 : memref<!tpu.dma_semaphore, #tpu.memory_space<semaphore_mem>>)
      %add3A_58 = arith.constant 1 : i32
      %add3A_59 = arith.addi %mul3A_40, %add3A_58 : i32
      %dma_wait3A_60 = arith.constant 0 : i32
      %dma_wait3A_61 = tpu.memref_slice %arg5[%add3A_59, %dma_wait3A_60] : memref<50x128xi32, #tpu.memory_space<vmem>> -> memref<1x128xi32, #tpu.memory_space<vmem>>
      %dma_wait3A_62 = tpu.memref_squeeze %dma_wait3A_61 : memref<1x128xi32, #tpu.memory_space<vmem>> -> memref<128xi32, #tpu.memory_space<vmem>>
      %dma_wait3A_63 = arith.constant 0 : i32
      %dma_wait3A_64 = arith.constant 0 : i32
      %dma_wait3A_65 = tpu.memref_slice %arg2[%dma_wait3A_63, %dma_wait3A_64] : memref<100001x32xf32, #tpu.memory_space<hbm>> -> memref<100001x32xf32, #tpu.memory_space<hbm>>
      tpu.wait_indirect_dma semaphore(%arg9 : memref<!tpu.dma_semaphore, #tpu.memory_space<semaphore_mem>>) src(%dma_wait3A_65 : memref<100001x32xf32, #tpu.memory_space<hbm>>) dst(%arg7 : memref<128x32xf32, #tpu.memory_space<vmem>>)
      %mul3A_66 = arith.constant 128 : i32
      %mul3A_67 = arith.muli %add3A_59, %mul3A_66 : i32
      %add3A_68 = arith.addi %mul3A_2, %mul3A_67 : i32
      "tpu.region"() ({
        %run_scoped3A = tpu.sem_alloc : memref<!tpu.dma_semaphore, #tpu.memory_space<semaphore_mem>>
        %dma_start3A_77 = arith.constant 0 : i32
        %dma_start3A_78 = tpu.memref_slice %arg4[%add3A_68, %dma_start3A_77] : memref<204800x32xf32, #tpu.memory_space<hbm>> -> memref<128x32xf32, #tpu.memory_space<hbm>>
        %dma_start3A_79 = arith.constant 0 : i32
        %dma_start3A_80 = tpu.memref_slice %arg4[%add3A_68, %dma_start3A_79] : memref<204800x32xf32, #tpu.memory_space<hbm>> -> memref<128x32xf32, #tpu.memory_space<hbm>>
        tpu.enqueue_dma source(%arg7 : memref<128x32xf32, #tpu.memory_space<vmem>>) target(%dma_start3A_80 : memref<128x32xf32, #tpu.memory_space<hbm>>) target_semaphore(%run_scoped3A : memref<!tpu.dma_semaphore, #tpu.memory_space<semaphore_mem>>)
        %dma_wait3A_81 = arith.constant 0 : i32
        %dma_wait3A_82 = tpu.memref_slice %arg4[%add3A_68, %dma_wait3A_81] : memref<204800x32xf32, #tpu.memory_space<hbm>> -> memref<128x32xf32, #tpu.memory_space<hbm>>
        %dma_wait3A_83 = arith.constant 0 : i32
        %dma_wait3A_84 = tpu.memref_slice %arg4[%add3A_68, %dma_wait3A_83] : memref<204800x32xf32, #tpu.memory_space<hbm>> -> memref<128x32xf32, #tpu.memory_space<hbm>>
        tpu.wait_dma2 semaphore(%run_scoped3A : memref<!tpu.dma_semaphore, #tpu.memory_space<semaphore_mem>>) src(%arg7 : memref<128x32xf32, #tpu.memory_space<vmem>>) dst(%dma_wait3A_84 : memref<128x32xf32, #tpu.memory_space<hbm>>)
        tpu.yield
      }) : () -> ()
      %add3A_69 = arith.constant 2 : i32
      %add3A_70 = arith.addi %add3A_59, %add3A_69 : i32
      %dma_start3A_71 = arith.constant 0 : i32
      %dma_start3A_72 = tpu.memref_slice %arg5[%add3A_70, %dma_start3A_71] : memref<50x128xi32, #tpu.memory_space<vmem>> -> memref<1x128xi32, #tpu.memory_space<vmem>>
      %dma_start3A_73 = tpu.memref_squeeze %dma_start3A_72 : memref<1x128xi32, #tpu.memory_space<vmem>> -> memref<128xi32, #tpu.memory_space<vmem>>
      %dma_start3A_74 = arith.constant 0 : i32
      %dma_start3A_75 = arith.constant 0 : i32
      %dma_start3A_76 = tpu.memref_slice %arg2[%dma_start3A_74, %dma_start3A_75] : memref<100001x32xf32, #tpu.memory_space<hbm>> -> memref<100001x32xf32, #tpu.memory_space<hbm>>
      tpu.enqueue_indirect_dma source(%dma_start3A_76 : memref<100001x32xf32, #tpu.memory_space<hbm>>) target(%arg7 : memref<128x32xf32, #tpu.memory_space<vmem>>) offsets(%dma_start3A_73 : memref<128xi32, #tpu.memory_space<vmem>>) semaphore(%arg9 : memref<!tpu.dma_semaphore, #tpu.memory_space<semaphore_mem>>)
    }
    %scan3A_20 = arith.constant 24 : i32
    %dma_wait3A = arith.constant 48 : i32
    %dma_wait3A_21 = arith.constant 0 : i32
    %dma_wait3A_22 = tpu.memref_slice %arg5[%dma_wait3A, %dma_wait3A_21] : memref<50x128xi32, #tpu.memory_space<vmem>> -> memref<1x128xi32, #tpu.memory_space<vmem>>
    %dma_wait3A_23 = tpu.memref_squeeze %dma_wait3A_22 : memref<1x128xi32, #tpu.memory_space<vmem>> -> memref<128xi32, #tpu.memory_space<vmem>>
    %dma_wait3A_24 = arith.constant 0 : i32
    %dma_wait3A_25 = arith.constant 0 : i32
    %dma_wait3A_26 = tpu.memref_slice %arg2[%dma_wait3A_24, %dma_wait3A_25] : memref<100001x32xf32, #tpu.memory_space<hbm>> -> memref<100001x32xf32, #tpu.memory_space<hbm>>
    tpu.wait_indirect_dma semaphore(%arg8 : memref<!tpu.dma_semaphore, #tpu.memory_space<semaphore_mem>>) src(%dma_wait3A_26 : memref<100001x32xf32, #tpu.memory_space<hbm>>) dst(%arg6 : memref<128x32xf32, #tpu.memory_space<vmem>>)
    %add3A_27 = arith.constant 6144 : i32
    %add3A_28 = arith.addi %mul3A_2, %add3A_27 : i32
    "tpu.region"() ({
      %run_scoped3A = tpu.sem_alloc : memref<!tpu.dma_semaphore, #tpu.memory_space<semaphore_mem>>
      %dma_start3A_38 = arith.constant 0 : i32
      %dma_start3A_39 = tpu.memref_slice %arg4[%add3A_28, %dma_start3A_38] : memref<204800x32xf32, #tpu.memory_space<hbm>> -> memref<128x32xf32, #tpu.memory_space<hbm>>
      %dma_start3A_40 = arith.constant 0 : i32
      %dma_start3A_41 = tpu.memref_slice %arg4[%add3A_28, %dma_start3A_40] : memref<204800x32xf32, #tpu.memory_space<hbm>> -> memref<128x32xf32, #tpu.memory_space<hbm>>
      tpu.enqueue_dma source(%arg6 : memref<128x32xf32, #tpu.memory_space<vmem>>) target(%dma_start3A_41 : memref<128x32xf32, #tpu.memory_space<hbm>>) target_semaphore(%run_scoped3A : memref<!tpu.dma_semaphore, #tpu.memory_space<semaphore_mem>>)
      %dma_wait3A_42 = arith.constant 0 : i32
      %dma_wait3A_43 = tpu.memref_slice %arg4[%add3A_28, %dma_wait3A_42] : memref<204800x32xf32, #tpu.memory_space<hbm>> -> memref<128x32xf32, #tpu.memory_space<hbm>>
      %dma_wait3A_44 = arith.constant 0 : i32
      %dma_wait3A_45 = tpu.memref_slice %arg4[%add3A_28, %dma_wait3A_44] : memref<204800x32xf32, #tpu.memory_space<hbm>> -> memref<128x32xf32, #tpu.memory_space<hbm>>
      tpu.wait_dma2 semaphore(%run_scoped3A : memref<!tpu.dma_semaphore, #tpu.memory_space<semaphore_mem>>) src(%arg6 : memref<128x32xf32, #tpu.memory_space<vmem>>) dst(%dma_wait3A_45 : memref<128x32xf32, #tpu.memory_space<hbm>>)
      tpu.yield
    }) : () -> ()
    %dma_wait3A_29 = arith.constant 49 : i32
    %dma_wait3A_30 = arith.constant 0 : i32
    %dma_wait3A_31 = tpu.memref_slice %arg5[%dma_wait3A_29, %dma_wait3A_30] : memref<50x128xi32, #tpu.memory_space<vmem>> -> memref<1x128xi32, #tpu.memory_space<vmem>>
    %dma_wait3A_32 = tpu.memref_squeeze %dma_wait3A_31 : memref<1x128xi32, #tpu.memory_space<vmem>> -> memref<128xi32, #tpu.memory_space<vmem>>
    %dma_wait3A_33 = arith.constant 0 : i32
    %dma_wait3A_34 = arith.constant 0 : i32
    %dma_wait3A_35 = tpu.memref_slice %arg2[%dma_wait3A_33, %dma_wait3A_34] : memref<100001x32xf32, #tpu.memory_space<hbm>> -> memref<100001x32xf32, #tpu.memory_space<hbm>>
    tpu.wait_indirect_dma semaphore(%arg9 : memref<!tpu.dma_semaphore, #tpu.memory_space<semaphore_mem>>) src(%dma_wait3A_35 : memref<100001x32xf32, #tpu.memory_space<hbm>>) dst(%arg7 : memref<128x32xf32, #tpu.memory_space<vmem>>)
    %add3A_36 = arith.constant 6272 : i32
    %add3A_37 = arith.addi %mul3A_2, %add3A_36 : i32
    "tpu.region"() ({
      %run_scoped3A = tpu.sem_alloc : memref<!tpu.dma_semaphore, #tpu.memory_space<semaphore_mem>>
      %dma_start3A_38 = arith.constant 0 : i32
      %dma_start3A_39 = tpu.memref_slice %arg4[%add3A_37, %dma_start3A_38] : memref<204800x32xf32, #tpu.memory_space<hbm>> -> memref<128x32xf32, #tpu.memory_space<hbm>>
      %dma_start3A_40 = arith.constant 0 : i32
      %dma_start3A_41 = tpu.memref_slice %arg4[%add3A_37, %dma_start3A_40] : memref<204800x32xf32, #tpu.memory_space<hbm>> -> memref<128x32xf32, #tpu.memory_space<hbm>>
      tpu.enqueue_dma source(%arg7 : memref<128x32xf32, #tpu.memory_space<vmem>>) target(%dma_start3A_41 : memref<128x32xf32, #tpu.memory_space<hbm>>) target_semaphore(%run_scoped3A : memref<!tpu.dma_semaphore, #tpu.memory_space<semaphore_mem>>)
      %dma_wait3A_42 = arith.constant 0 : i32
      %dma_wait3A_43 = tpu.memref_slice %arg4[%add3A_37, %dma_wait3A_42] : memref<204800x32xf32, #tpu.memory_space<hbm>> -> memref<128x32xf32, #tpu.memory_space<hbm>>
      %dma_wait3A_44 = arith.constant 0 : i32
      %dma_wait3A_45 = tpu.memref_slice %arg4[%add3A_37, %dma_wait3A_44] : memref<204800x32xf32, #tpu.memory_space<hbm>> -> memref<128x32xf32, #tpu.memory_space<hbm>>
      tpu.wait_dma2 semaphore(%run_scoped3A : memref<!tpu.dma_semaphore, #tpu.memory_space<semaphore_mem>>) src(%arg7 : memref<128x32xf32, #tpu.memory_space<vmem>>) dst(%dma_wait3A_45 : memref<128x32xf32, #tpu.memory_space<hbm>>)
      tpu.yield
    }) : () -> ()
    return
  }
}

#map = affine_map<(d0, d1) -> (0, 0)>
#map1 = affine_map<(d0, d1) -> (0, 0, 0)>
module attributes {stable_mosaic.version = 14 : i64} {
  func.func @k(%arg0: i32, %arg1: i32, %arg2: memref<100001x32xf32, #tpu.memory_space<hbm>>, %arg3: memref<32x50x128xi32, #tpu.memory_space<hbm>>, %arg4: memref<204800x32xf32, #tpu.memory_space<hbm>>, %arg5: memref<50x128xi32, #tpu.memory_space<vmem>>, %arg6: memref<128x32xf32, #tpu.memory_space<vmem>>, %arg7: memref<128x32xf32, #tpu.memory_space<vmem>>, %arg8: memref<!tpu.dma_semaphore, #tpu.memory_space<semaphore_mem>>, %arg9: memref<!tpu.dma_semaphore, #tpu.memory_space<semaphore_mem>>) attributes {dimension_semantics = [#tpu.dimension_semantics<core_parallel>, #tpu.dimension_semantics<subcore_parallel>], iteration_bounds = array<i64: 2, 16>, scalar_prefetch = 0 : i64, scratch_operands = 5 : i64, tpu.core_type = #tpu.core_type<sc_vector_subcore>, window_params = [{transform_indices = #map}, {transform_indices = #map1}, {transform_indices = #map}]} {
    %mul3A = arith.constant 2 : i32
    %mul3A_0 = arith.muli %arg1, %mul3A : i32
    %add3A = arith.addi %mul3A_0, %arg0 : i32
    "tpu.region"() ({
      %run_scoped3A = tpu.sem_alloc : memref<!tpu.dma_semaphore, #tpu.memory_space<semaphore_mem>>
      %dma_start3A_38 = arith.constant 0 : i32
      %dma_start3A_39 = arith.constant 0 : i32
      %dma_start3A_40 = tpu.memref_slice %arg3[%add3A, %dma_start3A_38, %dma_start3A_39] : memref<32x50x128xi32, #tpu.memory_space<hbm>> -> memref<1x50x128xi32, #tpu.memory_space<hbm>>
      %dma_start3A_41 = tpu.memref_squeeze %dma_start3A_40 : memref<1x50x128xi32, #tpu.memory_space<hbm>> -> memref<50x128xi32, #tpu.memory_space<hbm>>
      %dma_start3A_42 = arith.constant 0 : i32
      %dma_start3A_43 = arith.constant 0 : i32
      %dma_start3A_44 = tpu.memref_slice %arg3[%add3A, %dma_start3A_42, %dma_start3A_43] : memref<32x50x128xi32, #tpu.memory_space<hbm>> -> memref<1x50x128xi32, #tpu.memory_space<hbm>>
      %dma_start3A_45 = tpu.memref_squeeze %dma_start3A_44 : memref<1x50x128xi32, #tpu.memory_space<hbm>> -> memref<50x128xi32, #tpu.memory_space<hbm>>
      tpu.enqueue_dma source(%dma_start3A_45 : memref<50x128xi32, #tpu.memory_space<hbm>>) target(%arg5 : memref<50x128xi32, #tpu.memory_space<vmem>>) target_semaphore(%run_scoped3A : memref<!tpu.dma_semaphore, #tpu.memory_space<semaphore_mem>>)
      %dma_wait3A_46 = arith.constant 0 : i32
      %dma_wait3A_47 = arith.constant 0 : i32
      %dma_wait3A_48 = tpu.memref_slice %arg3[%add3A, %dma_wait3A_46, %dma_wait3A_47] : memref<32x50x128xi32, #tpu.memory_space<hbm>> -> memref<1x50x128xi32, #tpu.memory_space<hbm>>
      %dma_wait3A_49 = tpu.memref_squeeze %dma_wait3A_48 : memref<1x50x128xi32, #tpu.memory_space<hbm>> -> memref<50x128xi32, #tpu.memory_space<hbm>>
      %dma_wait3A_50 = arith.constant 0 : i32
      %dma_wait3A_51 = arith.constant 0 : i32
      %dma_wait3A_52 = tpu.memref_slice %arg3[%add3A, %dma_wait3A_50, %dma_wait3A_51] : memref<32x50x128xi32, #tpu.memory_space<hbm>> -> memref<1x50x128xi32, #tpu.memory_space<hbm>>
      %dma_wait3A_53 = tpu.memref_squeeze %dma_wait3A_52 : memref<1x50x128xi32, #tpu.memory_space<hbm>> -> memref<50x128xi32, #tpu.memory_space<hbm>>
      tpu.wait_dma2 semaphore(%run_scoped3A : memref<!tpu.dma_semaphore, #tpu.memory_space<semaphore_mem>>) src(%dma_wait3A_53 : memref<50x128xi32, #tpu.memory_space<hbm>>) dst(%arg5 : memref<50x128xi32, #tpu.memory_space<vmem>>)
      tpu.yield
    }) : () -> ()
    %mul3A_1 = arith.constant 6400 : i32
    %mul3A_2 = arith.muli %add3A, %mul3A_1 : i32
    %dma_start3A = arith.constant 0 : i32
    %dma_start3A_3 = arith.constant 0 : i32
    %dma_start3A_4 = tpu.memref_slice %arg5[%dma_start3A, %dma_start3A_3] : memref<50x128xi32, #tpu.memory_space<vmem>> -> memref<1x128xi32, #tpu.memory_space<vmem>>
    %dma_start3A_5 = tpu.memref_squeeze %dma_start3A_4 : memref<1x128xi32, #tpu.memory_space<vmem>> -> memref<128xi32, #tpu.memory_space<vmem>>
    %dma_start3A_6 = arith.constant 0 : i32
    %dma_start3A_7 = arith.constant 0 : i32
    %dma_start3A_8 = tpu.memref_slice %arg2[%dma_start3A_6, %dma_start3A_7] : memref<100001x32xf32, #tpu.memory_space<hbm>> -> memref<100001x32xf32, #tpu.memory_space<hbm>>
    tpu.enqueue_indirect_dma source(%dma_start3A_8 : memref<100001x32xf32, #tpu.memory_space<hbm>>) target(%arg6 : memref<128x32xf32, #tpu.memory_space<vmem>>) offsets(%dma_start3A_5 : memref<128xi32, #tpu.memory_space<vmem>>) semaphore(%arg8 : memref<!tpu.dma_semaphore, #tpu.memory_space<semaphore_mem>>)
    %dma_start3A_9 = arith.constant 1 : i32
    %dma_start3A_10 = arith.constant 0 : i32
    %dma_start3A_11 = tpu.memref_slice %arg5[%dma_start3A_9, %dma_start3A_10] : memref<50x128xi32, #tpu.memory_space<vmem>> -> memref<1x128xi32, #tpu.memory_space<vmem>>
    %dma_start3A_12 = tpu.memref_squeeze %dma_start3A_11 : memref<1x128xi32, #tpu.memory_space<vmem>> -> memref<128xi32, #tpu.memory_space<vmem>>
    %dma_start3A_13 = arith.constant 0 : i32
    %dma_start3A_14 = arith.constant 0 : i32
    %dma_start3A_15 = tpu.memref_slice %arg2[%dma_start3A_13, %dma_start3A_14] : memref<100001x32xf32, #tpu.memory_space<hbm>> -> memref<100001x32xf32, #tpu.memory_space<hbm>>
    tpu.enqueue_indirect_dma source(%dma_start3A_15 : memref<100001x32xf32, #tpu.memory_space<hbm>>) target(%arg7 : memref<128x32xf32, #tpu.memory_space<vmem>>) offsets(%dma_start3A_12 : memref<128xi32, #tpu.memory_space<vmem>>) semaphore(%arg9 : memref<!tpu.dma_semaphore, #tpu.memory_space<semaphore_mem>>)
    %scan3A = arith.constant 0 : i32
    %scan3A_16 = arith.constant 0 : i32
    %scan3A_17 = arith.constant 24 : i32
    %scan3A_18 = arith.addi %scan3A_16, %scan3A_17 : i32
    %scan3A_19 = arith.constant 1 : i32
    scf.for %scan3A_38 = %scan3A_16 to %scan3A_18 step %scan3A_19  : i32 {
      %mul3A_39 = arith.constant 2 : i32
      %mul3A_40 = arith.muli %mul3A_39, %scan3A_38 : i32
      %dma_wait3A_41 = arith.constant 0 : i32
      %dma_wait3A_42 = tpu.memref_slice %arg5[%mul3A_40, %dma_wait3A_41] : memref<50x128xi32, #tpu.memory_space<vmem>> -> memref<1x128xi32, #tpu.memory_space<vmem>>
      %dma_wait3A_43 = tpu.memref_squeeze %dma_wait3A_42 : memref<1x128xi32, #tpu.memory_space<vmem>> -> memref<128xi32, #tpu.memory_space<vmem>>
      %dma_wait3A_44 = arith.constant 0 : i32
      %dma_wait3A_45 = arith.constant 0 : i32
      %dma_wait3A_46 = tpu.memref_slice %arg2[%dma_wait3A_44, %dma_wait3A_45] : memref<100001x32xf32, #tpu.memory_space<hbm>> -> memref<100001x32xf32, #tpu.memory_space<hbm>>
      tpu.wait_indirect_dma semaphore(%arg8 : memref<!tpu.dma_semaphore, #tpu.memory_space<semaphore_mem>>) src(%dma_wait3A_46 : memref<100001x32xf32, #tpu.memory_space<hbm>>) dst(%arg6 : memref<128x32xf32, #tpu.memory_space<vmem>>)
      %mul3A_47 = arith.constant 128 : i32
      %mul3A_48 = arith.muli %mul3A_40, %mul3A_47 : i32
      %add3A_49 = arith.addi %mul3A_2, %mul3A_48 : i32
      "tpu.region"() ({
        %run_scoped3A = tpu.sem_alloc : memref<!tpu.dma_semaphore, #tpu.memory_space<semaphore_mem>>
        %dma_start3A_77 = arith.constant 0 : i32
        %dma_start3A_78 = tpu.memref_slice %arg4[%add3A_49, %dma_start3A_77] : memref<204800x32xf32, #tpu.memory_space<hbm>> -> memref<128x32xf32, #tpu.memory_space<hbm>>
        %dma_start3A_79 = arith.constant 0 : i32
        %dma_start3A_80 = tpu.memref_slice %arg4[%add3A_49, %dma_start3A_79] : memref<204800x32xf32, #tpu.memory_space<hbm>> -> memref<128x32xf32, #tpu.memory_space<hbm>>
        tpu.enqueue_dma source(%arg6 : memref<128x32xf32, #tpu.memory_space<vmem>>) target(%dma_start3A_80 : memref<128x32xf32, #tpu.memory_space<hbm>>) target_semaphore(%run_scoped3A : memref<!tpu.dma_semaphore, #tpu.memory_space<semaphore_mem>>)
        %dma_wait3A_81 = arith.constant 0 : i32
        %dma_wait3A_82 = tpu.memref_slice %arg4[%add3A_49, %dma_wait3A_81] : memref<204800x32xf32, #tpu.memory_space<hbm>> -> memref<128x32xf32, #tpu.memory_space<hbm>>
        %dma_wait3A_83 = arith.constant 0 : i32
        %dma_wait3A_84 = tpu.memref_slice %arg4[%add3A_49, %dma_wait3A_83] : memref<204800x32xf32, #tpu.memory_space<hbm>> -> memref<128x32xf32, #tpu.memory_space<hbm>>
        tpu.wait_dma2 semaphore(%run_scoped3A : memref<!tpu.dma_semaphore, #tpu.memory_space<semaphore_mem>>) src(%arg6 : memref<128x32xf32, #tpu.memory_space<vmem>>) dst(%dma_wait3A_84 : memref<128x32xf32, #tpu.memory_space<hbm>>)
        tpu.yield
      }) : () -> ()
      %add3A_50 = arith.constant 2 : i32
      %add3A_51 = arith.addi %mul3A_40, %add3A_50 : i32
      %dma_start3A_52 = arith.constant 0 : i32
      %dma_start3A_53 = tpu.memref_slice %arg5[%add3A_51, %dma_start3A_52] : memref<50x128xi32, #tpu.memory_space<vmem>> -> memref<1x128xi32, #tpu.memory_space<vmem>>
      %dma_start3A_54 = tpu.memref_squeeze %dma_start3A_53 : memref<1x128xi32, #tpu.memory_space<vmem>> -> memref<128xi32, #tpu.memory_space<vmem>>
      %dma_start3A_55 = arith.constant 0 : i32
      %dma_start3A_56 = arith.constant 0 : i32
      %dma_start3A_57 = tpu.memref_slice %arg2[%dma_start3A_55, %dma_start3A_56] : memref<100001x32xf32, #tpu.memory_space<hbm>> -> memref<100001x32xf32, #tpu.memory_space<hbm>>
      tpu.enqueue_indirect_dma source(%dma_start3A_57 : memref<100001x32xf32, #tpu.memory_space<hbm>>) target(%arg6 : memref<128x32xf32, #tpu.memory_space<vmem>>) offsets(%dma_start3A_54 : memref<128xi32, #tpu.memory_space<vmem>>) semaphore(%arg8 : memref<!tpu.dma_semaphore, #tpu.memory_space<semaphore_mem>>)
      %add3A_58 = arith.constant 1 : i32
      %add3A_59 = arith.addi %mul3A_40, %add3A_58 : i32
      %dma_wait3A_60 = arith.constant 0 : i32
      %dma_wait3A_61 = tpu.memref_slice %arg5[%add3A_59, %dma_wait3A_60] : memref<50x128xi32, #tpu.memory_space<vmem>> -> memref<1x128xi32, #tpu.memory_space<vmem>>
      %dma_wait3A_62 = tpu.memref_squeeze %dma_wait3A_61 : memref<1x128xi32, #tpu.memory_space<vmem>> -> memref<128xi32, #tpu.memory_space<vmem>>
      %dma_wait3A_63 = arith.constant 0 : i32
      %dma_wait3A_64 = arith.constant 0 : i32
      %dma_wait3A_65 = tpu.memref_slice %arg2[%dma_wait3A_63, %dma_wait3A_64] : memref<100001x32xf32, #tpu.memory_space<hbm>> -> memref<100001x32xf32, #tpu.memory_space<hbm>>
      tpu.wait_indirect_dma semaphore(%arg9 : memref<!tpu.dma_semaphore, #tpu.memory_space<semaphore_mem>>) src(%dma_wait3A_65 : memref<100001x32xf32, #tpu.memory_space<hbm>>) dst(%arg7 : memref<128x32xf32, #tpu.memory_space<vmem>>)
      %mul3A_66 = arith.constant 128 : i32
      %mul3A_67 = arith.muli %add3A_59, %mul3A_66 : i32
      %add3A_68 = arith.addi %mul3A_2, %mul3A_67 : i32
      "tpu.region"() ({
        %run_scoped3A = tpu.sem_alloc : memref<!tpu.dma_semaphore, #tpu.memory_space<semaphore_mem>>
        %dma_start3A_77 = arith.constant 0 : i32
        %dma_start3A_78 = tpu.memref_slice %arg4[%add3A_68, %dma_start3A_77] : memref<204800x32xf32, #tpu.memory_space<hbm>> -> memref<128x32xf32, #tpu.memory_space<hbm>>
        %dma_start3A_79 = arith.constant 0 : i32
        %dma_start3A_80 = tpu.memref_slice %arg4[%add3A_68, %dma_start3A_79] : memref<204800x32xf32, #tpu.memory_space<hbm>> -> memref<128x32xf32, #tpu.memory_space<hbm>>
        tpu.enqueue_dma source(%arg7 : memref<128x32xf32, #tpu.memory_space<vmem>>) target(%dma_start3A_80 : memref<128x32xf32, #tpu.memory_space<hbm>>) target_semaphore(%run_scoped3A : memref<!tpu.dma_semaphore, #tpu.memory_space<semaphore_mem>>)
        %dma_wait3A_81 = arith.constant 0 : i32
        %dma_wait3A_82 = tpu.memref_slice %arg4[%add3A_68, %dma_wait3A_81] : memref<204800x32xf32, #tpu.memory_space<hbm>> -> memref<128x32xf32, #tpu.memory_space<hbm>>
        %dma_wait3A_83 = arith.constant 0 : i32
        %dma_wait3A_84 = tpu.memref_slice %arg4[%add3A_68, %dma_wait3A_83] : memref<204800x32xf32, #tpu.memory_space<hbm>> -> memref<128x32xf32, #tpu.memory_space<hbm>>
        tpu.wait_dma2 semaphore(%run_scoped3A : memref<!tpu.dma_semaphore, #tpu.memory_space<semaphore_mem>>) src(%arg7 : memref<128x32xf32, #tpu.memory_space<vmem>>) dst(%dma_wait3A_84 : memref<128x32xf32, #tpu.memory_space<hbm>>)
        tpu.yield
      }) : () -> ()
      %add3A_69 = arith.constant 2 : i32
      %add3A_70 = arith.addi %add3A_59, %add3A_69 : i32
      %dma_start3A_71 = arith.constant 0 : i32
      %dma_start3A_72 = tpu.memref_slice %arg5[%add3A_70, %dma_start3A_71] : memref<50x128xi32, #tpu.memory_space<vmem>> -> memref<1x128xi32, #tpu.memory_space<vmem>>
      %dma_start3A_73 = tpu.memref_squeeze %dma_start3A_72 : memref<1x128xi32, #tpu.memory_space<vmem>> -> memref<128xi32, #tpu.memory_space<vmem>>
      %dma_start3A_74 = arith.constant 0 : i32
      %dma_start3A_75 = arith.constant 0 : i32
      %dma_start3A_76 = tpu.memref_slice %arg2[%dma_start3A_74, %dma_start3A_75] : memref<100001x32xf32, #tpu.memory_space<hbm>> -> memref<100001x32xf32, #tpu.memory_space<hbm>>
      tpu.enqueue_indirect_dma source(%dma_start3A_76 : memref<100001x32xf32, #tpu.memory_space<hbm>>) target(%arg7 : memref<128x32xf32, #tpu.memory_space<vmem>>) offsets(%dma_start3A_73 : memref<128xi32, #tpu.memory_space<vmem>>) semaphore(%arg9 : memref<!tpu.dma_semaphore, #tpu.memory_space<semaphore_mem>>)
    }
    %scan3A_20 = arith.constant 24 : i32
    %dma_wait3A = arith.constant 48 : i32
    %dma_wait3A_21 = arith.constant 0 : i32
    %dma_wait3A_22 = tpu.memref_slice %arg5[%dma_wait3A, %dma_wait3A_21] : memref<50x128xi32, #tpu.memory_space<vmem>> -> memref<1x128xi32, #tpu.memory_space<vmem>>
    %dma_wait3A_23 = tpu.memref_squeeze %dma_wait3A_22 : memref<1x128xi32, #tpu.memory_space<vmem>> -> memref<128xi32, #tpu.memory_space<vmem>>
    %dma_wait3A_24 = arith.constant 0 : i32
    %dma_wait3A_25 = arith.constant 0 : i32
    %dma_wait3A_26 = tpu.memref_slice %arg2[%dma_wait3A_24, %dma_wait3A_25] : memref<100001x32xf32, #tpu.memory_space<hbm>> -> memref<100001x32xf32, #tpu.memory_space<hbm>>
    tpu.wait_indirect_dma semaphore(%arg8 : memref<!tpu.dma_semaphore, #tpu.memory_space<semaphore_mem>>) src(%dma_wait3A_26 : memref<100001x32xf32, #tpu.memory_space<hbm>>) dst(%arg6 : memref<128x32xf32, #tpu.memory_space<vmem>>)
    %add3A_27 = arith.constant 6144 : i32
    %add3A_28 = arith.addi %mul3A_2, %add3A_27 : i32
    "tpu.region"() ({
      %run_scoped3A = tpu.sem_alloc : memref<!tpu.dma_semaphore, #tpu.memory_space<semaphore_mem>>
      %dma_start3A_38 = arith.constant 0 : i32
      %dma_start3A_39 = tpu.memref_slice %arg4[%add3A_28, %dma_start3A_38] : memref<204800x32xf32, #tpu.memory_space<hbm>> -> memref<128x32xf32, #tpu.memory_space<hbm>>
      %dma_start3A_40 = arith.constant 0 : i32
      %dma_start3A_41 = tpu.memref_slice %arg4[%add3A_28, %dma_start3A_40] : memref<204800x32xf32, #tpu.memory_space<hbm>> -> memref<128x32xf32, #tpu.memory_space<hbm>>
      tpu.enqueue_dma source(%arg6 : memref<128x32xf32, #tpu.memory_space<vmem>>) target(%dma_start3A_41 : memref<128x32xf32, #tpu.memory_space<hbm>>) target_semaphore(%run_scoped3A : memref<!tpu.dma_semaphore, #tpu.memory_space<semaphore_mem>>)
      %dma_wait3A_42 = arith.constant 0 : i32
      %dma_wait3A_43 = tpu.memref_slice %arg4[%add3A_28, %dma_wait3A_42] : memref<204800x32xf32, #tpu.memory_space<hbm>> -> memref<128x32xf32, #tpu.memory_space<hbm>>
      %dma_wait3A_44 = arith.constant 0 : i32
      %dma_wait3A_45 = tpu.memref_slice %arg4[%add3A_28, %dma_wait3A_44] : memref<204800x32xf32, #tpu.memory_space<hbm>> -> memref<128x32xf32, #tpu.memory_space<hbm>>
      tpu.wait_dma2 semaphore(%run_scoped3A : memref<!tpu.dma_semaphore, #tpu.memory_space<semaphore_mem>>) src(%arg6 : memref<128x32xf32, #tpu.memory_space<vmem>>) dst(%dma_wait3A_45 : memref<128x32xf32, #tpu.memory_space<hbm>>)
      tpu.yield
    }) : () -> ()
    %dma_wait3A_29 = arith.constant 49 : i32
    %dma_wait3A_30 = arith.constant 0 : i32
    %dma_wait3A_31 = tpu.memref_slice %arg5[%dma_wait3A_29, %dma_wait3A_30] : memref<50x128xi32, #tpu.memory_space<vmem>> -> memref<1x128xi32, #tpu.memory_space<vmem>>
    %dma_wait3A_32 = tpu.memref_squeeze %dma_wait3A_31 : memref<1x128xi32, #tpu.memory_space<vmem>> -> memref<128xi32, #tpu.memory_space<vmem>>
    %dma_wait3A_33 = arith.constant 0 : i32
    %dma_wait3A_34 = arith.constant 0 : i32
    %dma_wait3A_35 = tpu.memref_slice %arg2[%dma_wait3A_33, %dma_wait3A_34] : memref<100001x32xf32, #tpu.memory_space<hbm>> -> memref<100001x32xf32, #tpu.memory_space<hbm>>
    tpu.wait_indirect_dma semaphore(%arg9 : memref<!tpu.dma_semaphore, #tpu.memory_space<semaphore_mem>>) src(%dma_wait3A_35 : memref<100001x32xf32, #tpu.memory_space<hbm>>) dst(%arg7 : memref<128x32xf32, #tpu.memory_space<vmem>>)
    %add3A_36 = arith.constant 6272 : i32
    %add3A_37 = arith.addi %mul3A_2, %add3A_36 : i32
    "tpu.region"() ({
      %run_scoped3A = tpu.sem_alloc : memref<!tpu.dma_semaphore, #tpu.memory_space<semaphore_mem>>
      %dma_start3A_38 = arith.constant 0 : i32
      %dma_start3A_39 = tpu.memref_slice %arg4[%add3A_37, %dma_start3A_38] : memref<204800x32xf32, #tpu.memory_space<hbm>> -> memref<128x32xf32, #tpu.memory_space<hbm>>
      %dma_start3A_40 = arith.constant 0 : i32
      %dma_start3A_41 = tpu.memref_slice %arg4[%add3A_37, %dma_start3A_40] : memref<204800x32xf32, #tpu.memory_space<hbm>> -> memref<128x32xf32, #tpu.memory_space<hbm>>
      tpu.enqueue_dma source(%arg7 : memref<128x32xf32, #tpu.memory_space<vmem>>) target(%dma_start3A_41 : memref<128x32xf32, #tpu.memory_space<hbm>>) target_semaphore(%run_scoped3A : memref<!tpu.dma_semaphore, #tpu.memory_space<semaphore_mem>>)
      %dma_wait3A_42 = arith.constant 0 : i32
      %dma_wait3A_43 = tpu.memref_slice %arg4[%add3A_37, %dma_wait3A_42] : memref<204800x32xf32, #tpu.memory_space<hbm>> -> memref<128x32xf32, #tpu.memory_space<hbm>>
      %dma_wait3A_44 = arith.constant 0 : i32
      %dma_wait3A_45 = tpu.memref_slice %arg4[%add3A_37, %dma_wait3A_44] : memref<204800x32xf32, #tpu.memory_space<hbm>> -> memref<128x32xf32, #tpu.memory_space<hbm>>
      tpu.wait_dma2 semaphore(%run_scoped3A : memref<!tpu.dma_semaphore, #tpu.memory_space<semaphore_mem>>) src(%arg7 : memref<128x32xf32, #tpu.memory_space<vmem>>) dst(%dma_wait3A_45 : memref<128x32xf32, #tpu.memory_space<hbm>>)
      tpu.yield
    }) : () -> ()
    return
  }
}

module attributes {stable_mosaic.version = 14 : i64} {
  func.func @_tc_body(%arg0: i32, %arg1: memref<8x1024xi32, #tpu.memory_space<vmem>>, %arg2: memref<8x1024xf32, #tpu.memory_space<vmem>>, %arg3: memref<3x32xf32, #tpu.memory_space<vmem>>, %arg4: memref<1x32xf32, #tpu.memory_space<vmem>>, %arg5: memref<1x32xf32, #tpu.memory_space<vmem>>, %arg6: memref<1x32xf32, #tpu.memory_space<vmem>>, %arg7: memref<1x32xf32, #tpu.memory_space<vmem>>, %arg8: memref<8x1024xf32, #tpu.memory_space<vmem>>, %arg9: memref<1x1024xi32, #tpu.memory_space<vmem>>, %arg10: memref<256x1024xf32, #tpu.memory_space<vmem>>, %arg11: memref<256x1024xf32, #tpu.memory_space<vmem>>, %arg12: memref<8x1024xf32, #tpu.memory_space<vmem>>, %arg13: memref<1x1024xi32, #tpu.memory_space<vmem>>) attributes {dimension_semantics = [#tpu.dimension_semantics<arbitrary>], iteration_bounds = array<i64: 25>, scalar_prefetch = 0 : i64, scratch_operands = 0 : i64, tpu.core_type = #tpu.core_type<tc>, window_params = [{transform_indices = @transform_0, window_bounds = array<i64: 8, 1024>}, {transform_indices = @transform_1, window_bounds = array<i64: 8, 1024>}, {pipeline_mode = #tpu.pipeline_mode<synchronous>, transform_indices = @transform_2, window_bounds = array<i64: 3, 32>}, {pipeline_mode = #tpu.pipeline_mode<synchronous>, transform_indices = @transform_3, window_bounds = array<i64: 1, 32>}, {pipeline_mode = #tpu.pipeline_mode<synchronous>, transform_indices = @transform_4, window_bounds = array<i64: 1, 32>}, {pipeline_mode = #tpu.pipeline_mode<synchronous>, transform_indices = @transform_5, window_bounds = array<i64: 1, 32>}, {pipeline_mode = #tpu.pipeline_mode<synchronous>, transform_indices = @transform_6, window_bounds = array<i64: 1, 32>}, {transform_indices = @transform_7, window_bounds = array<i64: 8, 1024>}, {pipeline_mode = #tpu.pipeline_mode<synchronous>, transform_indices = @transform_8, window_bounds = array<i64: 1, 1024>}, {transform_indices = @transform_9, window_bounds = array<i64: 256, 1024>}, {transform_indices = @transform_10, window_bounds = array<i64: 256, 1024>}, {transform_indices = @transform_11, window_bounds = array<i64: 8, 1024>}, {pipeline_mode = #tpu.pipeline_mode<synchronous>, transform_indices = @transform_12, window_bounds = array<i64: 1, 1024>}]} {
    %get3A = arith.constant 0 : index
    %get3A_0 = arith.constant 0 : index
    %get3A_1 = vector.load %arg3[%get3A, %get3A_0] : memref<3x32xf32, #tpu.memory_space<vmem>>, vector<3x32xf32>
    %get3A_2 = arith.constant 0 : index
    %get3A_3 = arith.constant 0 : index
    %get3A_4 = vector.load %arg4[%get3A_2, %get3A_3] : memref<1x32xf32, #tpu.memory_space<vmem>>, vector<1x32xf32>
    %get3A_5 = arith.constant 0 : index
    %get3A_6 = arith.constant 0 : index
    %get3A_7 = vector.load %arg5[%get3A_5, %get3A_6] : memref<1x32xf32, #tpu.memory_space<vmem>>, vector<1x32xf32>
    %get3A_8 = arith.constant 0 : index
    %get3A_9 = arith.constant 0 : index
    %get3A_10 = vector.load %arg6[%get3A_8, %get3A_9] : memref<1x32xf32, #tpu.memory_space<vmem>>, vector<1x32xf32>
    %get3A_11 = arith.constant 0 : index
    %get3A_12 = arith.constant 0 : index
    %get3A_13 = vector.load %arg7[%get3A_11, %get3A_12] : memref<1x32xf32, #tpu.memory_space<vmem>>, vector<1x32xf32>
    %reduce_sum3A = vector.shape_cast %get3A_4 : vector<1x32xf32> to vector<1x1x32xf32>
    %reduce_sum3A_14 = arith.constant dense<0.000000e+00> : vector<1xf32>
    %reduce_sum3A_15 = vector.multi_reduction <add>, %reduce_sum3A, %reduce_sum3A_14 [1, 2] : vector<1x1x32xf32> to vector<1xf32>
    %reduce_sum3A_16 = vector.shape_cast %reduce_sum3A_15 : vector<1xf32> to vector<1x1x1xf32>
    %reduce_sum3A_17 = vector.extract %reduce_sum3A_16[0, 0, 0] : f32 from vector<1x1x1xf32>
    %div3A = arith.constant 3.200000e+01 : f32
    %div3A_18 = arith.divf %reduce_sum3A_17, %div3A : f32
    %sub3A = vector.broadcast %div3A_18 : f32 to vector<1x32xf32>
    %sub3A_19 = arith.subf %get3A_4, %sub3A : vector<1x32xf32>
    %reduce_sum3A_20 = vector.shape_cast %get3A_7 : vector<1x32xf32> to vector<1x1x32xf32>
    %reduce_sum3A_21 = arith.constant dense<0.000000e+00> : vector<1xf32>
    %reduce_sum3A_22 = vector.multi_reduction <add>, %reduce_sum3A_20, %reduce_sum3A_21 [1, 2] : vector<1x1x32xf32> to vector<1xf32>
    %reduce_sum3A_23 = vector.shape_cast %reduce_sum3A_22 : vector<1xf32> to vector<1x1x1xf32>
    %reduce_sum3A_24 = vector.extract %reduce_sum3A_23[0, 0, 0] : f32 from vector<1x1x1xf32>
    %div3A_25 = arith.constant 3.200000e+01 : f32
    %div3A_26 = arith.divf %reduce_sum3A_24, %div3A_25 : f32
    %sub3A_27 = vector.broadcast %div3A_26 : f32 to vector<1x32xf32>
    %sub3A_28 = arith.subf %get3A_7, %sub3A_27 : vector<1x32xf32>
    %mul3A = arith.mulf %sub3A_19, %sub3A_19 : vector<1x32xf32>
    %reduce_sum3A_29 = vector.shape_cast %mul3A : vector<1x32xf32> to vector<1x1x32xf32>
    %reduce_sum3A_30 = arith.constant dense<0.000000e+00> : vector<1xf32>
    %reduce_sum3A_31 = vector.multi_reduction <add>, %reduce_sum3A_29, %reduce_sum3A_30 [1, 2] : vector<1x1x32xf32> to vector<1xf32>
    %reduce_sum3A_32 = vector.shape_cast %reduce_sum3A_31 : vector<1xf32> to vector<1x1x1xf32>
    %reduce_sum3A_33 = vector.extract %reduce_sum3A_32[0, 0, 0] : f32 from vector<1x1x1xf32>
    %div3A_34 = arith.constant 3.200000e+01 : f32
    %div3A_35 = arith.divf %reduce_sum3A_33, %div3A_34 : f32
    %mul3A_36 = arith.mulf %sub3A_19, %sub3A_28 : vector<1x32xf32>
    %reduce_sum3A_37 = vector.shape_cast %mul3A_36 : vector<1x32xf32> to vector<1x1x32xf32>
    %reduce_sum3A_38 = arith.constant dense<0.000000e+00> : vector<1xf32>
    %reduce_sum3A_39 = vector.multi_reduction <add>, %reduce_sum3A_37, %reduce_sum3A_38 [1, 2] : vector<1x1x32xf32> to vector<1xf32>
    %reduce_sum3A_40 = vector.shape_cast %reduce_sum3A_39 : vector<1xf32> to vector<1x1x1xf32>
    %reduce_sum3A_41 = vector.extract %reduce_sum3A_40[0, 0, 0] : f32 from vector<1x1x1xf32>
    %div3A_42 = arith.constant 3.200000e+01 : f32
    %div3A_43 = arith.divf %reduce_sum3A_41, %div3A_42 : f32
    %mul3A_44 = arith.mulf %sub3A_28, %sub3A_28 : vector<1x32xf32>
    %reduce_sum3A_45 = vector.shape_cast %mul3A_44 : vector<1x32xf32> to vector<1x1x32xf32>
    %reduce_sum3A_46 = arith.constant dense<0.000000e+00> : vector<1xf32>
    %reduce_sum3A_47 = vector.multi_reduction <add>, %reduce_sum3A_45, %reduce_sum3A_46 [1, 2] : vector<1x1x32xf32> to vector<1xf32>
    %reduce_sum3A_48 = vector.shape_cast %reduce_sum3A_47 : vector<1xf32> to vector<1x1x1xf32>
    %reduce_sum3A_49 = vector.extract %reduce_sum3A_48[0, 0, 0] : f32 from vector<1x1x1xf32>
    %div3A_50 = arith.constant 3.200000e+01 : f32
    %div3A_51 = arith.divf %reduce_sum3A_49, %div3A_50 : f32
    %mul3A_52 = arith.mulf %sub3A_19, %get3A_10 : vector<1x32xf32>
    %reshape3A = vector.shape_cast %mul3A_52 : vector<1x32xf32> to vector<32x1xf32>
    %mul3A_53 = arith.mulf %sub3A_28, %get3A_10 : vector<1x32xf32>
    %reshape3A_54 = vector.shape_cast %mul3A_53 : vector<1x32xf32> to vector<32x1xf32>
    %reshape3A_55 = vector.shape_cast %get3A_13 : vector<1x32xf32> to vector<32x1xf32>
    %slice3A = vector.extract_strided_slice %get3A_1 {offsets = [0, 0], sizes = [1, 32], strides = [1, 1]} : vector<3x32xf32> to vector<1x32xf32>
    %reshape3A_56 = vector.shape_cast %slice3A : vector<1x32xf32> to vector<32x1xf32>
    %slice3A_57 = vector.extract_strided_slice %get3A_1 {offsets = [1, 0], sizes = [1, 32], strides = [1, 1]} : vector<3x32xf32> to vector<1x32xf32>
    %reshape3A_58 = vector.shape_cast %slice3A_57 : vector<1x32xf32> to vector<32x1xf32>
    %slice3A_59 = vector.extract_strided_slice %get3A_1 {offsets = [2, 0], sizes = [1, 32], strides = [1, 1]} : vector<3x32xf32> to vector<1x32xf32>
    %reshape3A_60 = vector.shape_cast %slice3A_59 : vector<1x32xf32> to vector<32x1xf32>
    %get3A_61 = arith.constant 0 : index
    %get3A_62 = arith.constant 0 : index
    %get3A_63 = vector.load %arg1[%get3A_61, %get3A_62] : memref<8x1024xi32, #tpu.memory_space<vmem>>, vector<1x1024xi32>
    %get3A_64 = arith.constant 0 : index
    %get3A_65 = arith.constant 0 : index
    %get3A_66 = vector.load %arg2[%get3A_64, %get3A_65] : memref<8x1024xf32, #tpu.memory_space<vmem>>, vector<1x1024xf32>
    %eq3A = arith.constant 0 : i32
    %eq3A_67 = vector.broadcast %eq3A : i32 to vector<1x1024xi32>
    %eq3A_68 = arith.cmpi eq, %get3A_63, %eq3A_67 : vector<1x1024xi32>
    %eq3A_69 = arith.constant 1 : i32
    %eq3A_70 = vector.broadcast %eq3A_69 : i32 to vector<1x1024xi32>
    %eq3A_71 = arith.cmpi eq, %get3A_63, %eq3A_70 : vector<1x1024xi32>
    %broadcast_in_dim3A = vector.shape_cast %eq3A_71 : vector<1x1024xi1> to vector<1x1024xi1>
    %broadcast_in_dim3A_72 = vector.broadcast %broadcast_in_dim3A : vector<1x1024xi1> to vector<32x1024xi1>
    %broadcast_in_dim3A_73 = vector.shape_cast %reshape3A_58 : vector<32x1xf32> to vector<32x1xf32>
    %broadcast_in_dim3A_74 = vector.broadcast %broadcast_in_dim3A_73 : vector<32x1xf32> to vector<32x1024xf32>
    %broadcast_in_dim3A_75 = vector.shape_cast %reshape3A_60 : vector<32x1xf32> to vector<32x1xf32>
    %broadcast_in_dim3A_76 = vector.broadcast %broadcast_in_dim3A_75 : vector<32x1xf32> to vector<32x1024xf32>
    %select_n3A = arith.select %broadcast_in_dim3A_72, %broadcast_in_dim3A_74, %broadcast_in_dim3A_76 : vector<32x1024xi1>, vector<32x1024xf32>
    %broadcast_in_dim3A_77 = vector.shape_cast %eq3A_68 : vector<1x1024xi1> to vector<1x1024xi1>
    %broadcast_in_dim3A_78 = vector.broadcast %broadcast_in_dim3A_77 : vector<1x1024xi1> to vector<32x1024xi1>
    %broadcast_in_dim3A_79 = vector.shape_cast %reshape3A_56 : vector<32x1xf32> to vector<32x1xf32>
    %broadcast_in_dim3A_80 = vector.broadcast %broadcast_in_dim3A_79 : vector<32x1xf32> to vector<32x1024xf32>
    %select_n3A_81 = arith.select %broadcast_in_dim3A_78, %broadcast_in_dim3A_80, %select_n3A : vector<32x1024xi1>, vector<32x1024xf32>
    %swap3A = arith.constant 0 : index
    %swap3A_82 = arith.constant 0 : index
    %swap3A_83 = vector.load %arg10[%swap3A, %swap3A_82] : memref<256x1024xf32, #tpu.memory_space<vmem>>, vector<32x1024xf32>
    tpu.vector_store %arg10[%swap3A, %swap3A_82], %select_n3A_81 {strides = array<i32>} : memref<256x1024xf32, #tpu.memory_space<vmem>>, vector<32x1024xf32>,
    %mul3A_84 = vector.broadcast %div3A_35 : f32 to vector<1x1024xf32>
    %mul3A_85 = arith.mulf %mul3A_84, %get3A_66 : vector<1x1024xf32>
    %mul3A_86 = arith.constant 2.000000e+00 : f32
    %mul3A_87 = arith.mulf %mul3A_86, %div3A_43 : f32
    %add3A = vector.broadcast %mul3A_87 : f32 to vector<1x1024xf32>
    %add3A_88 = arith.addf %mul3A_85, %add3A : vector<1x1024xf32>
    %mul3A_89 = arith.mulf %add3A_88, %get3A_66 : vector<1x1024xf32>
    %add3A_90 = vector.broadcast %div3A_51 : f32 to vector<1x1024xf32>
    %add3A_91 = arith.addf %mul3A_89, %add3A_90 : vector<1x1024xf32>
    %add3A_92 = arith.constant 9.99999974E-6 : f32
    %add3A_93 = vector.broadcast %add3A_92 : f32 to vector<1x1024xf32>
    %add3A_94 = arith.addf %add3A_91, %add3A_93 : vector<1x1024xf32>
    %rsqrt3A = math.rsqrt %add3A_94 : vector<1x1024xf32>
    %mul3A_95 = arith.mulf %get3A_66, %rsqrt3A : vector<1x1024xf32>
    %mul3A_96 = vector.broadcast %reshape3A : vector<32x1xf32> to vector<32x1024xf32>
    %mul3A_97 = vector.broadcast %mul3A_95 : vector<1x1024xf32> to vector<32x1024xf32>
    %mul3A_98 = arith.mulf %mul3A_96, %mul3A_97 : vector<32x1024xf32>
    %mul3A_99 = vector.broadcast %reshape3A_54 : vector<32x1xf32> to vector<32x1024xf32>
    %mul3A_100 = vector.broadcast %rsqrt3A : vector<1x1024xf32> to vector<32x1024xf32>
    %mul3A_101 = arith.mulf %mul3A_99, %mul3A_100 : vector<32x1024xf32>
    %add3A_102 = arith.addf %mul3A_98, %mul3A_101 : vector<32x1024xf32>
    %add3A_103 = vector.broadcast %reshape3A_55 : vector<32x1xf32> to vector<32x1024xf32>
    %add3A_104 = arith.addf %add3A_102, %add3A_103 : vector<32x1024xf32>
    %swap3A_105 = arith.constant 0 : index
    %swap3A_106 = arith.constant 0 : index
    %swap3A_107 = vector.load %arg11[%swap3A_105, %swap3A_106] : memref<256x1024xf32, #tpu.memory_space<vmem>>, vector<32x1024xf32>
    tpu.vector_store %arg11[%swap3A_105, %swap3A_106], %add3A_104 {strides = array<i32>} : memref<256x1024xf32, #tpu.memory_space<vmem>>, vector<32x1024xf32>,
    %get3A_108 = arith.constant 1 : index
    %get3A_109 = arith.constant 0 : index
    %get3A_110 = vector.load %arg1[%get3A_108, %get3A_109] : memref<8x1024xi32, #tpu.memory_space<vmem>>, vector<1x1024xi32>
    %get3A_111 = arith.constant 1 : index
    %get3A_112 = arith.constant 0 : index
    %get3A_113 = vector.load %arg2[%get3A_111, %get3A_112] : memref<8x1024xf32, #tpu.memory_space<vmem>>, vector<1x1024xf32>
    %eq3A_114 = arith.constant 0 : i32
    %eq3A_115 = vector.broadcast %eq3A_114 : i32 to vector<1x1024xi32>
    %eq3A_116 = arith.cmpi eq, %get3A_110, %eq3A_115 : vector<1x1024xi32>
    %eq3A_117 = arith.constant 1 : i32
    %eq3A_118 = vector.broadcast %eq3A_117 : i32 to vector<1x1024xi32>
    %eq3A_119 = arith.cmpi eq, %get3A_110, %eq3A_118 : vector<1x1024xi32>
    %broadcast_in_dim3A_120 = vector.shape_cast %eq3A_119 : vector<1x1024xi1> to vector<1x1024xi1>
    %broadcast_in_dim3A_121 = vector.broadcast %broadcast_in_dim3A_120 : vector<1x1024xi1> to vector<32x1024xi1>
    %broadcast_in_dim3A_122 = vector.shape_cast %reshape3A_58 : vector<32x1xf32> to vector<32x1xf32>
    %broadcast_in_dim3A_123 = vector.broadcast %broadcast_in_dim3A_122 : vector<32x1xf32> to vector<32x1024xf32>
    %broadcast_in_dim3A_124 = vector.shape_cast %reshape3A_60 : vector<32x1xf32> to vector<32x1xf32>
    %broadcast_in_dim3A_125 = vector.broadcast %broadcast_in_dim3A_124 : vector<32x1xf32> to vector<32x1024xf32>
    %select_n3A_126 = arith.select %broadcast_in_dim3A_121, %broadcast_in_dim3A_123, %broadcast_in_dim3A_125 : vector<32x1024xi1>, vector<32x1024xf32>
    %broadcast_in_dim3A_127 = vector.shape_cast %eq3A_116 : vector<1x1024xi1> to vector<1x1024xi1>
    %broadcast_in_dim3A_128 = vector.broadcast %broadcast_in_dim3A_127 : vector<1x1024xi1> to vector<32x1024xi1>
    %broadcast_in_dim3A_129 = vector.shape_cast %reshape3A_56 : vector<32x1xf32> to vector<32x1xf32>
    %broadcast_in_dim3A_130 = vector.broadcast %broadcast_in_dim3A_129 : vector<32x1xf32> to vector<32x1024xf32>
    %select_n3A_131 = arith.select %broadcast_in_dim3A_128, %broadcast_in_dim3A_130, %select_n3A_126 : vector<32x1024xi1>, vector<32x1024xf32>
    %swap3A_132 = arith.constant 32 : index
    %swap3A_133 = arith.constant 0 : index
    %swap3A_134 = vector.load %arg10[%swap3A_132, %swap3A_133] : memref<256x1024xf32, #tpu.memory_space<vmem>>, vector<32x1024xf32>
    tpu.vector_store %arg10[%swap3A_132, %swap3A_133], %select_n3A_131 {strides = array<i32>} : memref<256x1024xf32, #tpu.memory_space<vmem>>, vector<32x1024xf32>,
    %mul3A_135 = vector.broadcast %div3A_35 : f32 to vector<1x1024xf32>
    %mul3A_136 = arith.mulf %mul3A_135, %get3A_113 : vector<1x1024xf32>
    %mul3A_137 = arith.constant 2.000000e+00 : f32
    %mul3A_138 = arith.mulf %mul3A_137, %div3A_43 : f32
    %add3A_139 = vector.broadcast %mul3A_138 : f32 to vector<1x1024xf32>
    %add3A_140 = arith.addf %mul3A_136, %add3A_139 : vector<1x1024xf32>
    %mul3A_141 = arith.mulf %add3A_140, %get3A_113 : vector<1x1024xf32>
    %add3A_142 = vector.broadcast %div3A_51 : f32 to vector<1x1024xf32>
    %add3A_143 = arith.addf %mul3A_141, %add3A_142 : vector<1x1024xf32>
    %add3A_144 = arith.constant 9.99999974E-6 : f32
    %add3A_145 = vector.broadcast %add3A_144 : f32 to vector<1x1024xf32>
    %add3A_146 = arith.addf %add3A_143, %add3A_145 : vector<1x1024xf32>
    %rsqrt3A_147 = math.rsqrt %add3A_146 : vector<1x1024xf32>
    %mul3A_148 = arith.mulf %get3A_113, %rsqrt3A_147 : vector<1x1024xf32>
    %mul3A_149 = vector.broadcast %reshape3A : vector<32x1xf32> to vector<32x1024xf32>
    %mul3A_150 = vector.broadcast %mul3A_148 : vector<1x1024xf32> to vector<32x1024xf32>
    %mul3A_151 = arith.mulf %mul3A_149, %mul3A_150 : vector<32x1024xf32>
    %mul3A_152 = vector.broadcast %reshape3A_54 : vector<32x1xf32> to vector<32x1024xf32>
    %mul3A_153 = vector.broadcast %rsqrt3A_147 : vector<1x1024xf32> to vector<32x1024xf32>
    %mul3A_154 = arith.mulf %mul3A_152, %mul3A_153 : vector<32x1024xf32>
    %add3A_155 = arith.addf %mul3A_151, %mul3A_154 : vector<32x1024xf32>
    %add3A_156 = vector.broadcast %reshape3A_55 : vector<32x1xf32> to vector<32x1024xf32>
    %add3A_157 = arith.addf %add3A_155, %add3A_156 : vector<32x1024xf32>
    %swap3A_158 = arith.constant 32 : index
    %swap3A_159 = arith.constant 0 : index
    %swap3A_160 = vector.load %arg11[%swap3A_158, %swap3A_159] : memref<256x1024xf32, #tpu.memory_space<vmem>>, vector<32x1024xf32>
    tpu.vector_store %arg11[%swap3A_158, %swap3A_159], %add3A_157 {strides = array<i32>} : memref<256x1024xf32, #tpu.memory_space<vmem>>, vector<32x1024xf32>,
    %get3A_161 = arith.constant 2 : index
    %get3A_162 = arith.constant 0 : index
    %get3A_163 = vector.load %arg1[%get3A_161, %get3A_162] : memref<8x1024xi32, #tpu.memory_space<vmem>>, vector<1x1024xi32>
    %get3A_164 = arith.constant 2 : index
    %get3A_165 = arith.constant 0 : index
    %get3A_166 = vector.load %arg2[%get3A_164, %get3A_165] : memref<8x1024xf32, #tpu.memory_space<vmem>>, vector<1x1024xf32>
    %eq3A_167 = arith.constant 0 : i32
    %eq3A_168 = vector.broadcast %eq3A_167 : i32 to vector<1x1024xi32>
    %eq3A_169 = arith.cmpi eq, %get3A_163, %eq3A_168 : vector<1x1024xi32>
    %eq3A_170 = arith.constant 1 : i32
    %eq3A_171 = vector.broadcast %eq3A_170 : i32 to vector<1x1024xi32>
    %eq3A_172 = arith.cmpi eq, %get3A_163, %eq3A_171 : vector<1x1024xi32>
    %broadcast_in_dim3A_173 = vector.shape_cast %eq3A_172 : vector<1x1024xi1> to vector<1x1024xi1>
    %broadcast_in_dim3A_174 = vector.broadcast %broadcast_in_dim3A_173 : vector<1x1024xi1> to vector<32x1024xi1>
    %broadcast_in_dim3A_175 = vector.shape_cast %reshape3A_58 : vector<32x1xf32> to vector<32x1xf32>
    %broadcast_in_dim3A_176 = vector.broadcast %broadcast_in_dim3A_175 : vector<32x1xf32> to vector<32x1024xf32>
    %broadcast_in_dim3A_177 = vector.shape_cast %reshape3A_60 : vector<32x1xf32> to vector<32x1xf32>
    %broadcast_in_dim3A_178 = vector.broadcast %broadcast_in_dim3A_177 : vector<32x1xf32> to vector<32x1024xf32>
    %select_n3A_179 = arith.select %broadcast_in_dim3A_174, %broadcast_in_dim3A_176, %broadcast_in_dim3A_178 : vector<32x1024xi1>, vector<32x1024xf32>
    %broadcast_in_dim3A_180 = vector.shape_cast %eq3A_169 : vector<1x1024xi1> to vector<1x1024xi1>
    %broadcast_in_dim3A_181 = vector.broadcast %broadcast_in_dim3A_180 : vector<1x1024xi1> to vector<32x1024xi1>
    %broadcast_in_dim3A_182 = vector.shape_cast %reshape3A_56 : vector<32x1xf32> to vector<32x1xf32>
    %broadcast_in_dim3A_183 = vector.broadcast %broadcast_in_dim3A_182 : vector<32x1xf32> to vector<32x1024xf32>
    %select_n3A_184 = arith.select %broadcast_in_dim3A_181, %broadcast_in_dim3A_183, %select_n3A_179 : vector<32x1024xi1>, vector<32x1024xf32>
    %swap3A_185 = arith.constant 64 : index
    %swap3A_186 = arith.constant 0 : index
    %swap3A_187 = vector.load %arg10[%swap3A_185, %swap3A_186] : memref<256x1024xf32, #tpu.memory_space<vmem>>, vector<32x1024xf32>
    tpu.vector_store %arg10[%swap3A_185, %swap3A_186], %select_n3A_184 {strides = array<i32>} : memref<256x1024xf32, #tpu.memory_space<vmem>>, vector<32x1024xf32>,
    %mul3A_188 = vector.broadcast %div3A_35 : f32 to vector<1x1024xf32>
    %mul3A_189 = arith.mulf %mul3A_188, %get3A_166 : vector<1x1024xf32>
    %mul3A_190 = arith.constant 2.000000e+00 : f32
    %mul3A_191 = arith.mulf %mul3A_190, %div3A_43 : f32
    %add3A_192 = vector.broadcast %mul3A_191 : f32 to vector<1x1024xf32>
    %add3A_193 = arith.addf %mul3A_189, %add3A_192 : vector<1x1024xf32>
    %mul3A_194 = arith.mulf %add3A_193, %get3A_166 : vector<1x1024xf32>
    %add3A_195 = vector.broadcast %div3A_51 : f32 to vector<1x1024xf32>
    %add3A_196 = arith.addf %mul3A_194, %add3A_195 : vector<1x1024xf32>
    %add3A_197 = arith.constant 9.99999974E-6 : f32
    %add3A_198 = vector.broadcast %add3A_197 : f32 to vector<1x1024xf32>
    %add3A_199 = arith.addf %add3A_196, %add3A_198 : vector<1x1024xf32>
    %rsqrt3A_200 = math.rsqrt %add3A_199 : vector<1x1024xf32>
    %mul3A_201 = arith.mulf %get3A_166, %rsqrt3A_200 : vector<1x1024xf32>
    %mul3A_202 = vector.broadcast %reshape3A : vector<32x1xf32> to vector<32x1024xf32>
    %mul3A_203 = vector.broadcast %mul3A_201 : vector<1x1024xf32> to vector<32x1024xf32>
    %mul3A_204 = arith.mulf %mul3A_202, %mul3A_203 : vector<32x1024xf32>
    %mul3A_205 = vector.broadcast %reshape3A_54 : vector<32x1xf32> to vector<32x1024xf32>
    %mul3A_206 = vector.broadcast %rsqrt3A_200 : vector<1x1024xf32> to vector<32x1024xf32>
    %mul3A_207 = arith.mulf %mul3A_205, %mul3A_206 : vector<32x1024xf32>
    %add3A_208 = arith.addf %mul3A_204, %mul3A_207 : vector<32x1024xf32>
    %add3A_209 = vector.broadcast %reshape3A_55 : vector<32x1xf32> to vector<32x1024xf32>
    %add3A_210 = arith.addf %add3A_208, %add3A_209 : vector<32x1024xf32>
    %swap3A_211 = arith.constant 64 : index
    %swap3A_212 = arith.constant 0 : index
    %swap3A_213 = vector.load %arg11[%swap3A_211, %swap3A_212] : memref<256x1024xf32, #tpu.memory_space<vmem>>, vector<32x1024xf32>
    tpu.vector_store %arg11[%swap3A_211, %swap3A_212], %add3A_210 {strides = array<i32>} : memref<256x1024xf32, #tpu.memory_space<vmem>>, vector<32x1024xf32>,
    %get3A_214 = arith.constant 3 : index
    %get3A_215 = arith.constant 0 : index
    %get3A_216 = vector.load %arg1[%get3A_214, %get3A_215] : memref<8x1024xi32, #tpu.memory_space<vmem>>, vector<1x1024xi32>
    %get3A_217 = arith.constant 3 : index
    %get3A_218 = arith.constant 0 : index
    %get3A_219 = vector.load %arg2[%get3A_217, %get3A_218] : memref<8x1024xf32, #tpu.memory_space<vmem>>, vector<1x1024xf32>
    %eq3A_220 = arith.constant 0 : i32
    %eq3A_221 = vector.broadcast %eq3A_220 : i32 to vector<1x1024xi32>
    %eq3A_222 = arith.cmpi eq, %get3A_216, %eq3A_221 : vector<1x1024xi32>
    %eq3A_223 = arith.constant 1 : i32
    %eq3A_224 = vector.broadcast %eq3A_223 : i32 to vector<1x1024xi32>
    %eq3A_225 = arith.cmpi eq, %get3A_216, %eq3A_224 : vector<1x1024xi32>
    %broadcast_in_dim3A_226 = vector.shape_cast %eq3A_225 : vector<1x1024xi1> to vector<1x1024xi1>
    %broadcast_in_dim3A_227 = vector.broadcast %broadcast_in_dim3A_226 : vector<1x1024xi1> to vector<32x1024xi1>
    %broadcast_in_dim3A_228 = vector.shape_cast %reshape3A_58 : vector<32x1xf32> to vector<32x1xf32>
    %broadcast_in_dim3A_229 = vector.broadcast %broadcast_in_dim3A_228 : vector<32x1xf32> to vector<32x1024xf32>
    %broadcast_in_dim3A_230 = vector.shape_cast %reshape3A_60 : vector<32x1xf32> to vector<32x1xf32>
    %broadcast_in_dim3A_231 = vector.broadcast %broadcast_in_dim3A_230 : vector<32x1xf32> to vector<32x1024xf32>
    %select_n3A_232 = arith.select %broadcast_in_dim3A_227, %broadcast_in_dim3A_229, %broadcast_in_dim3A_231 : vector<32x1024xi1>, vector<32x1024xf32>
    %broadcast_in_dim3A_233 = vector.shape_cast %eq3A_222 : vector<1x1024xi1> to vector<1x1024xi1>
    %broadcast_in_dim3A_234 = vector.broadcast %broadcast_in_dim3A_233 : vector<1x1024xi1> to vector<32x1024xi1>
    %broadcast_in_dim3A_235 = vector.shape_cast %reshape3A_56 : vector<32x1xf32> to vector<32x1xf32>
    %broadcast_in_dim3A_236 = vector.broadcast %broadcast_in_dim3A_235 : vector<32x1xf32> to vector<32x1024xf32>
    %select_n3A_237 = arith.select %broadcast_in_dim3A_234, %broadcast_in_dim3A_236, %select_n3A_232 : vector<32x1024xi1>, vector<32x1024xf32>
    %swap3A_238 = arith.constant 96 : index
    %swap3A_239 = arith.constant 0 : index
    %swap3A_240 = vector.load %arg10[%swap3A_238, %swap3A_239] : memref<256x1024xf32, #tpu.memory_space<vmem>>, vector<32x1024xf32>
    tpu.vector_store %arg10[%swap3A_238, %swap3A_239], %select_n3A_237 {strides = array<i32>} : memref<256x1024xf32, #tpu.memory_space<vmem>>, vector<32x1024xf32>,
    %mul3A_241 = vector.broadcast %div3A_35 : f32 to vector<1x1024xf32>
    %mul3A_242 = arith.mulf %mul3A_241, %get3A_219 : vector<1x1024xf32>
    %mul3A_243 = arith.constant 2.000000e+00 : f32
    %mul3A_244 = arith.mulf %mul3A_243, %div3A_43 : f32
    %add3A_245 = vector.broadcast %mul3A_244 : f32 to vector<1x1024xf32>
    %add3A_246 = arith.addf %mul3A_242, %add3A_245 : vector<1x1024xf32>
    %mul3A_247 = arith.mulf %add3A_246, %get3A_219 : vector<1x1024xf32>
    %add3A_248 = vector.broadcast %div3A_51 : f32 to vector<1x1024xf32>
    %add3A_249 = arith.addf %mul3A_247, %add3A_248 : vector<1x1024xf32>
    %add3A_250 = arith.constant 9.99999974E-6 : f32
    %add3A_251 = vector.broadcast %add3A_250 : f32 to vector<1x1024xf32>
    %add3A_252 = arith.addf %add3A_249, %add3A_251 : vector<1x1024xf32>
    %rsqrt3A_253 = math.rsqrt %add3A_252 : vector<1x1024xf32>
    %mul3A_254 = arith.mulf %get3A_219, %rsqrt3A_253 : vector<1x1024xf32>
    %mul3A_255 = vector.broadcast %reshape3A : vector<32x1xf32> to vector<32x1024xf32>
    %mul3A_256 = vector.broadcast %mul3A_254 : vector<1x1024xf32> to vector<32x1024xf32>
    %mul3A_257 = arith.mulf %mul3A_255, %mul3A_256 : vector<32x1024xf32>
    %mul3A_258 = vector.broadcast %reshape3A_54 : vector<32x1xf32> to vector<32x1024xf32>
    %mul3A_259 = vector.broadcast %rsqrt3A_253 : vector<1x1024xf32> to vector<32x1024xf32>
    %mul3A_260 = arith.mulf %mul3A_258, %mul3A_259 : vector<32x1024xf32>
    %add3A_261 = arith.addf %mul3A_257, %mul3A_260 : vector<32x1024xf32>
    %add3A_262 = vector.broadcast %reshape3A_55 : vector<32x1xf32> to vector<32x1024xf32>
    %add3A_263 = arith.addf %add3A_261, %add3A_262 : vector<32x1024xf32>
    %swap3A_264 = arith.constant 96 : index
    %swap3A_265 = arith.constant 0 : index
    %swap3A_266 = vector.load %arg11[%swap3A_264, %swap3A_265] : memref<256x1024xf32, #tpu.memory_space<vmem>>, vector<32x1024xf32>
    tpu.vector_store %arg11[%swap3A_264, %swap3A_265], %add3A_263 {strides = array<i32>} : memref<256x1024xf32, #tpu.memory_space<vmem>>, vector<32x1024xf32>,
    %get3A_267 = arith.constant 4 : index
    %get3A_268 = arith.constant 0 : index
    %get3A_269 = vector.load %arg1[%get3A_267, %get3A_268] : memref<8x1024xi32, #tpu.memory_space<vmem>>, vector<1x1024xi32>
    %get3A_270 = arith.constant 4 : index
    %get3A_271 = arith.constant 0 : index
    %get3A_272 = vector.load %arg2[%get3A_270, %get3A_271] : memref<8x1024xf32, #tpu.memory_space<vmem>>, vector<1x1024xf32>
    %eq3A_273 = arith.constant 0 : i32
    %eq3A_274 = vector.broadcast %eq3A_273 : i32 to vector<1x1024xi32>
    %eq3A_275 = arith.cmpi eq, %get3A_269, %eq3A_274 : vector<1x1024xi32>
    %eq3A_276 = arith.constant 1 : i32
    %eq3A_277 = vector.broadcast %eq3A_276 : i32 to vector<1x1024xi32>
    %eq3A_278 = arith.cmpi eq, %get3A_269, %eq3A_277 : vector<1x1024xi32>
    %broadcast_in_dim3A_279 = vector.shape_cast %eq3A_278 : vector<1x1024xi1> to vector<1x1024xi1>
    %broadcast_in_dim3A_280 = vector.broadcast %broadcast_in_dim3A_279 : vector<1x1024xi1> to vector<32x1024xi1>
    %broadcast_in_dim3A_281 = vector.shape_cast %reshape3A_58 : vector<32x1xf32> to vector<32x1xf32>
    %broadcast_in_dim3A_282 = vector.broadcast %broadcast_in_dim3A_281 : vector<32x1xf32> to vector<32x1024xf32>
    %broadcast_in_dim3A_283 = vector.shape_cast %reshape3A_60 : vector<32x1xf32> to vector<32x1xf32>
    %broadcast_in_dim3A_284 = vector.broadcast %broadcast_in_dim3A_283 : vector<32x1xf32> to vector<32x1024xf32>
    %select_n3A_285 = arith.select %broadcast_in_dim3A_280, %broadcast_in_dim3A_282, %broadcast_in_dim3A_284 : vector<32x1024xi1>, vector<32x1024xf32>
    %broadcast_in_dim3A_286 = vector.shape_cast %eq3A_275 : vector<1x1024xi1> to vector<1x1024xi1>
    %broadcast_in_dim3A_287 = vector.broadcast %broadcast_in_dim3A_286 : vector<1x1024xi1> to vector<32x1024xi1>
    %broadcast_in_dim3A_288 = vector.shape_cast %reshape3A_56 : vector<32x1xf32> to vector<32x1xf32>
    %broadcast_in_dim3A_289 = vector.broadcast %broadcast_in_dim3A_288 : vector<32x1xf32> to vector<32x1024xf32>
    %select_n3A_290 = arith.select %broadcast_in_dim3A_287, %broadcast_in_dim3A_289, %select_n3A_285 : vector<32x1024xi1>, vector<32x1024xf32>
    %swap3A_291 = arith.constant 128 : index
    %swap3A_292 = arith.constant 0 : index
    %swap3A_293 = vector.load %arg10[%swap3A_291, %swap3A_292] : memref<256x1024xf32, #tpu.memory_space<vmem>>, vector<32x1024xf32>
    tpu.vector_store %arg10[%swap3A_291, %swap3A_292], %select_n3A_290 {strides = array<i32>} : memref<256x1024xf32, #tpu.memory_space<vmem>>, vector<32x1024xf32>,
    %mul3A_294 = vector.broadcast %div3A_35 : f32 to vector<1x1024xf32>
    %mul3A_295 = arith.mulf %mul3A_294, %get3A_272 : vector<1x1024xf32>
    %mul3A_296 = arith.constant 2.000000e+00 : f32
    %mul3A_297 = arith.mulf %mul3A_296, %div3A_43 : f32
    %add3A_298 = vector.broadcast %mul3A_297 : f32 to vector<1x1024xf32>
    %add3A_299 = arith.addf %mul3A_295, %add3A_298 : vector<1x1024xf32>
    %mul3A_300 = arith.mulf %add3A_299, %get3A_272 : vector<1x1024xf32>
    %add3A_301 = vector.broadcast %div3A_51 : f32 to vector<1x1024xf32>
    %add3A_302 = arith.addf %mul3A_300, %add3A_301 : vector<1x1024xf32>
    %add3A_303 = arith.constant 9.99999974E-6 : f32
    %add3A_304 = vector.broadcast %add3A_303 : f32 to vector<1x1024xf32>
    %add3A_305 = arith.addf %add3A_302, %add3A_304 : vector<1x1024xf32>
    %rsqrt3A_306 = math.rsqrt %add3A_305 : vector<1x1024xf32>
    %mul3A_307 = arith.mulf %get3A_272, %rsqrt3A_306 : vector<1x1024xf32>
    %mul3A_308 = vector.broadcast %reshape3A : vector<32x1xf32> to vector<32x1024xf32>
    %mul3A_309 = vector.broadcast %mul3A_307 : vector<1x1024xf32> to vector<32x1024xf32>
    %mul3A_310 = arith.mulf %mul3A_308, %mul3A_309 : vector<32x1024xf32>
    %mul3A_311 = vector.broadcast %reshape3A_54 : vector<32x1xf32> to vector<32x1024xf32>
    %mul3A_312 = vector.broadcast %rsqrt3A_306 : vector<1x1024xf32> to vector<32x1024xf32>
    %mul3A_313 = arith.mulf %mul3A_311, %mul3A_312 : vector<32x1024xf32>
    %add3A_314 = arith.addf %mul3A_310, %mul3A_313 : vector<32x1024xf32>
    %add3A_315 = vector.broadcast %reshape3A_55 : vector<32x1xf32> to vector<32x1024xf32>
    %add3A_316 = arith.addf %add3A_314, %add3A_315 : vector<32x1024xf32>
    %swap3A_317 = arith.constant 128 : index
    %swap3A_318 = arith.constant 0 : index
    %swap3A_319 = vector.load %arg11[%swap3A_317, %swap3A_318] : memref<256x1024xf32, #tpu.memory_space<vmem>>, vector<32x1024xf32>
    tpu.vector_store %arg11[%swap3A_317, %swap3A_318], %add3A_316 {strides = array<i32>} : memref<256x1024xf32, #tpu.memory_space<vmem>>, vector<32x1024xf32>,
    %get3A_320 = arith.constant 5 : index
    %get3A_321 = arith.constant 0 : index
    %get3A_322 = vector.load %arg1[%get3A_320, %get3A_321] : memref<8x1024xi32, #tpu.memory_space<vmem>>, vector<1x1024xi32>
    %get3A_323 = arith.constant 5 : index
    %get3A_324 = arith.constant 0 : index
    %get3A_325 = vector.load %arg2[%get3A_323, %get3A_324] : memref<8x1024xf32, #tpu.memory_space<vmem>>, vector<1x1024xf32>
    %eq3A_326 = arith.constant 0 : i32
    %eq3A_327 = vector.broadcast %eq3A_326 : i32 to vector<1x1024xi32>
    %eq3A_328 = arith.cmpi eq, %get3A_322, %eq3A_327 : vector<1x1024xi32>
    %eq3A_329 = arith.constant 1 : i32
    %eq3A_330 = vector.broadcast %eq3A_329 : i32 to vector<1x1024xi32>
    %eq3A_331 = arith.cmpi eq, %get3A_322, %eq3A_330 : vector<1x1024xi32>
    %broadcast_in_dim3A_332 = vector.shape_cast %eq3A_331 : vector<1x1024xi1> to vector<1x1024xi1>
    %broadcast_in_dim3A_333 = vector.broadcast %broadcast_in_dim3A_332 : vector<1x1024xi1> to vector<32x1024xi1>
    %broadcast_in_dim3A_334 = vector.shape_cast %reshape3A_58 : vector<32x1xf32> to vector<32x1xf32>
    %broadcast_in_dim3A_335 = vector.broadcast %broadcast_in_dim3A_334 : vector<32x1xf32> to vector<32x1024xf32>
    %broadcast_in_dim3A_336 = vector.shape_cast %reshape3A_60 : vector<32x1xf32> to vector<32x1xf32>
    %broadcast_in_dim3A_337 = vector.broadcast %broadcast_in_dim3A_336 : vector<32x1xf32> to vector<32x1024xf32>
    %select_n3A_338 = arith.select %broadcast_in_dim3A_333, %broadcast_in_dim3A_335, %broadcast_in_dim3A_337 : vector<32x1024xi1>, vector<32x1024xf32>
    %broadcast_in_dim3A_339 = vector.shape_cast %eq3A_328 : vector<1x1024xi1> to vector<1x1024xi1>
    %broadcast_in_dim3A_340 = vector.broadcast %broadcast_in_dim3A_339 : vector<1x1024xi1> to vector<32x1024xi1>
    %broadcast_in_dim3A_341 = vector.shape_cast %reshape3A_56 : vector<32x1xf32> to vector<32x1xf32>
    %broadcast_in_dim3A_342 = vector.broadcast %broadcast_in_dim3A_341 : vector<32x1xf32> to vector<32x1024xf32>
    %select_n3A_343 = arith.select %broadcast_in_dim3A_340, %broadcast_in_dim3A_342, %select_n3A_338 : vector<32x1024xi1>, vector<32x1024xf32>
    %swap3A_344 = arith.constant 160 : index
    %swap3A_345 = arith.constant 0 : index
    %swap3A_346 = vector.load %arg10[%swap3A_344, %swap3A_345] : memref<256x1024xf32, #tpu.memory_space<vmem>>, vector<32x1024xf32>
    tpu.vector_store %arg10[%swap3A_344, %swap3A_345], %select_n3A_343 {strides = array<i32>} : memref<256x1024xf32, #tpu.memory_space<vmem>>, vector<32x1024xf32>,
    %mul3A_347 = vector.broadcast %div3A_35 : f32 to vector<1x1024xf32>
    %mul3A_348 = arith.mulf %mul3A_347, %get3A_325 : vector<1x1024xf32>
    %mul3A_349 = arith.constant 2.000000e+00 : f32
    %mul3A_350 = arith.mulf %mul3A_349, %div3A_43 : f32
    %add3A_351 = vector.broadcast %mul3A_350 : f32 to vector<1x1024xf32>
    %add3A_352 = arith.addf %mul3A_348, %add3A_351 : vector<1x1024xf32>
    %mul3A_353 = arith.mulf %add3A_352, %get3A_325 : vector<1x1024xf32>
    %add3A_354 = vector.broadcast %div3A_51 : f32 to vector<1x1024xf32>
    %add3A_355 = arith.addf %mul3A_353, %add3A_354 : vector<1x1024xf32>
    %add3A_356 = arith.constant 9.99999974E-6 : f32
    %add3A_357 = vector.broadcast %add3A_356 : f32 to vector<1x1024xf32>
    %add3A_358 = arith.addf %add3A_355, %add3A_357 : vector<1x1024xf32>
    %rsqrt3A_359 = math.rsqrt %add3A_358 : vector<1x1024xf32>
    %mul3A_360 = arith.mulf %get3A_325, %rsqrt3A_359 : vector<1x1024xf32>
    %mul3A_361 = vector.broadcast %reshape3A : vector<32x1xf32> to vector<32x1024xf32>
    %mul3A_362 = vector.broadcast %mul3A_360 : vector<1x1024xf32> to vector<32x1024xf32>
    %mul3A_363 = arith.mulf %mul3A_361, %mul3A_362 : vector<32x1024xf32>
    %mul3A_364 = vector.broadcast %reshape3A_54 : vector<32x1xf32> to vector<32x1024xf32>
    %mul3A_365 = vector.broadcast %rsqrt3A_359 : vector<1x1024xf32> to vector<32x1024xf32>
    %mul3A_366 = arith.mulf %mul3A_364, %mul3A_365 : vector<32x1024xf32>
    %add3A_367 = arith.addf %mul3A_363, %mul3A_366 : vector<32x1024xf32>
    %add3A_368 = vector.broadcast %reshape3A_55 : vector<32x1xf32> to vector<32x1024xf32>
    %add3A_369 = arith.addf %add3A_367, %add3A_368 : vector<32x1024xf32>
    %swap3A_370 = arith.constant 160 : index
    %swap3A_371 = arith.constant 0 : index
    %swap3A_372 = vector.load %arg11[%swap3A_370, %swap3A_371] : memref<256x1024xf32, #tpu.memory_space<vmem>>, vector<32x1024xf32>
    tpu.vector_store %arg11[%swap3A_370, %swap3A_371], %add3A_369 {strides = array<i32>} : memref<256x1024xf32, #tpu.memory_space<vmem>>, vector<32x1024xf32>,
    %get3A_373 = arith.constant 6 : index
    %get3A_374 = arith.constant 0 : index
    %get3A_375 = vector.load %arg1[%get3A_373, %get3A_374] : memref<8x1024xi32, #tpu.memory_space<vmem>>, vector<1x1024xi32>
    %get3A_376 = arith.constant 6 : index
    %get3A_377 = arith.constant 0 : index
    %get3A_378 = vector.load %arg2[%get3A_376, %get3A_377] : memref<8x1024xf32, #tpu.memory_space<vmem>>, vector<1x1024xf32>
    %eq3A_379 = arith.constant 0 : i32
    %eq3A_380 = vector.broadcast %eq3A_379 : i32 to vector<1x1024xi32>
    %eq3A_381 = arith.cmpi eq, %get3A_375, %eq3A_380 : vector<1x1024xi32>
    %eq3A_382 = arith.constant 1 : i32
    %eq3A_383 = vector.broadcast %eq3A_382 : i32 to vector<1x1024xi32>
    %eq3A_384 = arith.cmpi eq, %get3A_375, %eq3A_383 : vector<1x1024xi32>
    %broadcast_in_dim3A_385 = vector.shape_cast %eq3A_384 : vector<1x1024xi1> to vector<1x1024xi1>
    %broadcast_in_dim3A_386 = vector.broadcast %broadcast_in_dim3A_385 : vector<1x1024xi1> to vector<32x1024xi1>
    %broadcast_in_dim3A_387 = vector.shape_cast %reshape3A_58 : vector<32x1xf32> to vector<32x1xf32>
    %broadcast_in_dim3A_388 = vector.broadcast %broadcast_in_dim3A_387 : vector<32x1xf32> to vector<32x1024xf32>
    %broadcast_in_dim3A_389 = vector.shape_cast %reshape3A_60 : vector<32x1xf32> to vector<32x1xf32>
    %broadcast_in_dim3A_390 = vector.broadcast %broadcast_in_dim3A_389 : vector<32x1xf32> to vector<32x1024xf32>
    %select_n3A_391 = arith.select %broadcast_in_dim3A_386, %broadcast_in_dim3A_388, %broadcast_in_dim3A_390 : vector<32x1024xi1>, vector<32x1024xf32>
    %broadcast_in_dim3A_392 = vector.shape_cast %eq3A_381 : vector<1x1024xi1> to vector<1x1024xi1>
    %broadcast_in_dim3A_393 = vector.broadcast %broadcast_in_dim3A_392 : vector<1x1024xi1> to vector<32x1024xi1>
    %broadcast_in_dim3A_394 = vector.shape_cast %reshape3A_56 : vector<32x1xf32> to vector<32x1xf32>
    %broadcast_in_dim3A_395 = vector.broadcast %broadcast_in_dim3A_394 : vector<32x1xf32> to vector<32x1024xf32>
    %select_n3A_396 = arith.select %broadcast_in_dim3A_393, %broadcast_in_dim3A_395, %select_n3A_391 : vector<32x1024xi1>, vector<32x1024xf32>
    %swap3A_397 = arith.constant 192 : index
    %swap3A_398 = arith.constant 0 : index
    %swap3A_399 = vector.load %arg10[%swap3A_397, %swap3A_398] : memref<256x1024xf32, #tpu.memory_space<vmem>>, vector<32x1024xf32>
    tpu.vector_store %arg10[%swap3A_397, %swap3A_398], %select_n3A_396 {strides = array<i32>} : memref<256x1024xf32, #tpu.memory_space<vmem>>, vector<32x1024xf32>,
    %mul3A_400 = vector.broadcast %div3A_35 : f32 to vector<1x1024xf32>
    %mul3A_401 = arith.mulf %mul3A_400, %get3A_378 : vector<1x1024xf32>
    %mul3A_402 = arith.constant 2.000000e+00 : f32
    %mul3A_403 = arith.mulf %mul3A_402, %div3A_43 : f32
    %add3A_404 = vector.broadcast %mul3A_403 : f32 to vector<1x1024xf32>
    %add3A_405 = arith.addf %mul3A_401, %add3A_404 : vector<1x1024xf32>
    %mul3A_406 = arith.mulf %add3A_405, %get3A_378 : vector<1x1024xf32>
    %add3A_407 = vector.broadcast %div3A_51 : f32 to vector<1x1024xf32>
    %add3A_408 = arith.addf %mul3A_406, %add3A_407 : vector<1x1024xf32>
    %add3A_409 = arith.constant 9.99999974E-6 : f32
    %add3A_410 = vector.broadcast %add3A_409 : f32 to vector<1x1024xf32>
    %add3A_411 = arith.addf %add3A_408, %add3A_410 : vector<1x1024xf32>
    %rsqrt3A_412 = math.rsqrt %add3A_411 : vector<1x1024xf32>
    %mul3A_413 = arith.mulf %get3A_378, %rsqrt3A_412 : vector<1x1024xf32>
    %mul3A_414 = vector.broadcast %reshape3A : vector<32x1xf32> to vector<32x1024xf32>
    %mul3A_415 = vector.broadcast %mul3A_413 : vector<1x1024xf32> to vector<32x1024xf32>
    %mul3A_416 = arith.mulf %mul3A_414, %mul3A_415 : vector<32x1024xf32>
    %mul3A_417 = vector.broadcast %reshape3A_54 : vector<32x1xf32> to vector<32x1024xf32>
    %mul3A_418 = vector.broadcast %rsqrt3A_412 : vector<1x1024xf32> to vector<32x1024xf32>
    %mul3A_419 = arith.mulf %mul3A_417, %mul3A_418 : vector<32x1024xf32>
    %add3A_420 = arith.addf %mul3A_416, %mul3A_419 : vector<32x1024xf32>
    %add3A_421 = vector.broadcast %reshape3A_55 : vector<32x1xf32> to vector<32x1024xf32>
    %add3A_422 = arith.addf %add3A_420, %add3A_421 : vector<32x1024xf32>
    %swap3A_423 = arith.constant 192 : index
    %swap3A_424 = arith.constant 0 : index
    %swap3A_425 = vector.load %arg11[%swap3A_423, %swap3A_424] : memref<256x1024xf32, #tpu.memory_space<vmem>>, vector<32x1024xf32>
    tpu.vector_store %arg11[%swap3A_423, %swap3A_424], %add3A_422 {strides = array<i32>} : memref<256x1024xf32, #tpu.memory_space<vmem>>, vector<32x1024xf32>,
    %get3A_426 = arith.constant 7 : index
    %get3A_427 = arith.constant 0 : index
    %get3A_428 = vector.load %arg1[%get3A_426, %get3A_427] : memref<8x1024xi32, #tpu.memory_space<vmem>>, vector<1x1024xi32>
    %get3A_429 = arith.constant 7 : index
    %get3A_430 = arith.constant 0 : index
    %get3A_431 = vector.load %arg2[%get3A_429, %get3A_430] : memref<8x1024xf32, #tpu.memory_space<vmem>>, vector<1x1024xf32>
    %eq3A_432 = arith.constant 0 : i32
    %eq3A_433 = vector.broadcast %eq3A_432 : i32 to vector<1x1024xi32>
    %eq3A_434 = arith.cmpi eq, %get3A_428, %eq3A_433 : vector<1x1024xi32>
    %eq3A_435 = arith.constant 1 : i32
    %eq3A_436 = vector.broadcast %eq3A_435 : i32 to vector<1x1024xi32>
    %eq3A_437 = arith.cmpi eq, %get3A_428, %eq3A_436 : vector<1x1024xi32>
    %broadcast_in_dim3A_438 = vector.shape_cast %eq3A_437 : vector<1x1024xi1> to vector<1x1024xi1>
    %broadcast_in_dim3A_439 = vector.broadcast %broadcast_in_dim3A_438 : vector<1x1024xi1> to vector<32x1024xi1>
    %broadcast_in_dim3A_440 = vector.shape_cast %reshape3A_58 : vector<32x1xf32> to vector<32x1xf32>
    %broadcast_in_dim3A_441 = vector.broadcast %broadcast_in_dim3A_440 : vector<32x1xf32> to vector<32x1024xf32>
    %broadcast_in_dim3A_442 = vector.shape_cast %reshape3A_60 : vector<32x1xf32> to vector<32x1xf32>
    %broadcast_in_dim3A_443 = vector.broadcast %broadcast_in_dim3A_442 : vector<32x1xf32> to vector<32x1024xf32>
    %select_n3A_444 = arith.select %broadcast_in_dim3A_439, %broadcast_in_dim3A_441, %broadcast_in_dim3A_443 : vector<32x1024xi1>, vector<32x1024xf32>
    %broadcast_in_dim3A_445 = vector.shape_cast %eq3A_434 : vector<1x1024xi1> to vector<1x1024xi1>
    %broadcast_in_dim3A_446 = vector.broadcast %broadcast_in_dim3A_445 : vector<1x1024xi1> to vector<32x1024xi1>
    %broadcast_in_dim3A_447 = vector.shape_cast %reshape3A_56 : vector<32x1xf32> to vector<32x1xf32>
    %broadcast_in_dim3A_448 = vector.broadcast %broadcast_in_dim3A_447 : vector<32x1xf32> to vector<32x1024xf32>
    %select_n3A_449 = arith.select %broadcast_in_dim3A_446, %broadcast_in_dim3A_448, %select_n3A_444 : vector<32x1024xi1>, vector<32x1024xf32>
    %swap3A_450 = arith.constant 224 : index
    %swap3A_451 = arith.constant 0 : index
    %swap3A_452 = vector.load %arg10[%swap3A_450, %swap3A_451] : memref<256x1024xf32, #tpu.memory_space<vmem>>, vector<32x1024xf32>
    tpu.vector_store %arg10[%swap3A_450, %swap3A_451], %select_n3A_449 {strides = array<i32>} : memref<256x1024xf32, #tpu.memory_space<vmem>>, vector<32x1024xf32>,
    %mul3A_453 = vector.broadcast %div3A_35 : f32 to vector<1x1024xf32>
    %mul3A_454 = arith.mulf %mul3A_453, %get3A_431 : vector<1x1024xf32>
    %mul3A_455 = arith.constant 2.000000e+00 : f32
    %mul3A_456 = arith.mulf %mul3A_455, %div3A_43 : f32
    %add3A_457 = vector.broadcast %mul3A_456 : f32 to vector<1x1024xf32>
    %add3A_458 = arith.addf %mul3A_454, %add3A_457 : vector<1x1024xf32>
    %mul3A_459 = arith.mulf %add3A_458, %get3A_431 : vector<1x1024xf32>
    %add3A_460 = vector.broadcast %div3A_51 : f32 to vector<1x1024xf32>
    %add3A_461 = arith.addf %mul3A_459, %add3A_460 : vector<1x1024xf32>
    %add3A_462 = arith.constant 9.99999974E-6 : f32
    %add3A_463 = vector.broadcast %add3A_462 : f32 to vector<1x1024xf32>
    %add3A_464 = arith.addf %add3A_461, %add3A_463 : vector<1x1024xf32>
    %rsqrt3A_465 = math.rsqrt %add3A_464 : vector<1x1024xf32>
    %mul3A_466 = arith.mulf %get3A_431, %rsqrt3A_465 : vector<1x1024xf32>
    %mul3A_467 = vector.broadcast %reshape3A : vector<32x1xf32> to vector<32x1024xf32>
    %mul3A_468 = vector.broadcast %mul3A_466 : vector<1x1024xf32> to vector<32x1024xf32>
    %mul3A_469 = arith.mulf %mul3A_467, %mul3A_468 : vector<32x1024xf32>
    %mul3A_470 = vector.broadcast %reshape3A_54 : vector<32x1xf32> to vector<32x1024xf32>
    %mul3A_471 = vector.broadcast %rsqrt3A_465 : vector<1x1024xf32> to vector<32x1024xf32>
    %mul3A_472 = arith.mulf %mul3A_470, %mul3A_471 : vector<32x1024xf32>
    %add3A_473 = arith.addf %mul3A_469, %mul3A_472 : vector<32x1024xf32>
    %add3A_474 = vector.broadcast %reshape3A_55 : vector<32x1xf32> to vector<32x1024xf32>
    %add3A_475 = arith.addf %add3A_473, %add3A_474 : vector<32x1024xf32>
    %swap3A_476 = arith.constant 224 : index
    %swap3A_477 = arith.constant 0 : index
    %swap3A_478 = vector.load %arg11[%swap3A_476, %swap3A_477] : memref<256x1024xf32, #tpu.memory_space<vmem>>, vector<32x1024xf32>
    tpu.vector_store %arg11[%swap3A_476, %swap3A_477], %add3A_475 {strides = array<i32>} : memref<256x1024xf32, #tpu.memory_space<vmem>>, vector<32x1024xf32>,
    %get3A_479 = arith.constant 0 : index
    %get3A_480 = arith.constant 0 : index
    %get3A_481 = vector.load %arg8[%get3A_479, %get3A_480] : memref<8x1024xf32, #tpu.memory_space<vmem>>, vector<8x1024xf32>
    %swap3A_482 = arith.constant 0 : index
    %swap3A_483 = arith.constant 0 : index
    %swap3A_484 = vector.load %arg12[%swap3A_482, %swap3A_483] : memref<8x1024xf32, #tpu.memory_space<vmem>>, vector<8x1024xf32>
    tpu.vector_store %arg12[%swap3A_482, %swap3A_483], %get3A_481 {strides = array<i32>} : memref<8x1024xf32, #tpu.memory_space<vmem>>, vector<8x1024xf32>,
    %get3A_485 = arith.constant 0 : index
    %get3A_486 = arith.constant 0 : index
    %get3A_487 = vector.load %arg9[%get3A_485, %get3A_486] : memref<1x1024xi32, #tpu.memory_space<vmem>>, vector<1x1024xi32>
    %swap3A_488 = arith.constant 0 : index
    %swap3A_489 = arith.constant 0 : index
    %swap3A_490 = vector.load %arg13[%swap3A_488, %swap3A_489] : memref<1x1024xi32, #tpu.memory_space<vmem>>, vector<1x1024xi32>
    tpu.vector_store %arg13[%swap3A_488, %swap3A_489], %get3A_487 {strides = array<i32>} : memref<1x1024xi32, #tpu.memory_space<vmem>>, vector<1x1024xi32>,
    return
  }
  func.func @transform_0(%arg0: i32) -> (i32, i32) {
    %c0_i32 = arith.constant 0 : i32
    %c0_i32_0 = arith.constant 0 : i32
    return %arg0, %c0_i32 : i32, i32
  }
  func.func @transform_1(%arg0: i32) -> (i32, i32) {
    %c0_i32 = arith.constant 0 : i32
    %c0_i32_0 = arith.constant 0 : i32
    return %arg0, %c0_i32 : i32, i32
  }
  func.func @transform_2(%arg0: i32) -> (i32, i32) {
    %c0_i32 = arith.constant 0 : i32
    %c0_i32_0 = arith.constant 0 : i32
    %c0_i32_1 = arith.constant 0 : i32
    return %c0_i32, %c0_i32_0 : i32, i32
  }
  func.func @transform_3(%arg0: i32) -> (i32, i32) {
    %c0_i32 = arith.constant 0 : i32
    %c0_i32_0 = arith.constant 0 : i32
    %c0_i32_1 = arith.constant 0 : i32
    return %c0_i32, %c0_i32_0 : i32, i32
  }
  func.func @transform_4(%arg0: i32) -> (i32, i32) {
    %c0_i32 = arith.constant 0 : i32
    %c0_i32_0 = arith.constant 0 : i32
    %c0_i32_1 = arith.constant 0 : i32
    return %c0_i32, %c0_i32_0 : i32, i32
  }
  func.func @transform_5(%arg0: i32) -> (i32, i32) {
    %c0_i32 = arith.constant 0 : i32
    %c0_i32_0 = arith.constant 0 : i32
    %c0_i32_1 = arith.constant 0 : i32
    return %c0_i32, %c0_i32_0 : i32, i32
  }
  func.func @transform_6(%arg0: i32) -> (i32, i32) {
    %c0_i32 = arith.constant 0 : i32
    %c0_i32_0 = arith.constant 0 : i32
    %c0_i32_1 = arith.constant 0 : i32
    return %c0_i32, %c0_i32_0 : i32, i32
  }
  func.func @transform_7(%arg0: i32) -> (i32, i32) {
    %c0_i32 = arith.constant 0 : i32
    %c0_i32_0 = arith.constant 0 : i32
    return %arg0, %c0_i32 : i32, i32
  }
  func.func @transform_8(%arg0: i32) -> (i32, i32) {
    %c0_i32 = arith.constant 0 : i32
    %c0_i32_0 = arith.constant 0 : i32
    %c0_i32_1 = arith.constant 0 : i32
    return %c0_i32, %c0_i32_0 : i32, i32
  }
  func.func @transform_9(%arg0: i32) -> (i32, i32) {
    %c0_i32 = arith.constant 0 : i32
    %c0_i32_0 = arith.constant 0 : i32
    return %arg0, %c0_i32 : i32, i32
  }
  func.func @transform_10(%arg0: i32) -> (i32, i32) {
    %c0_i32 = arith.constant 0 : i32
    %c0_i32_0 = arith.constant 0 : i32
    return %arg0, %c0_i32 : i32, i32
  }
  func.func @transform_11(%arg0: i32) -> (i32, i32) {
    %c0_i32 = arith.constant 0 : i32
    %c0_i32_0 = arith.constant 0 : i32
    return %arg0, %c0_i32 : i32, i32
  }
  func.func @transform_12(%arg0: i32) -> (i32, i32) {
    %c0_i32 = arith.constant 0 : i32
    %c0_i32_0 = arith.constant 0 : i32
    %c0_i32_1 = arith.constant 0 : i32
    return %c0_i32, %c0_i32_0 : i32, i32
  }
}

module attributes {stable_mosaic.version = 14 : i64} {
  func.func @_tr_body(%arg0: i32, %arg1: memref<1024x32xf32, #tpu.memory_space<vmem>>, %arg2: memref<32x1024xf32, #tpu.memory_space<vmem>>) attributes {dimension_semantics = [#tpu.dimension_semantics<arbitrary>], iteration_bounds = array<i64: 200>, scalar_prefetch = 0 : i64, scratch_operands = 0 : i64, tpu.core_type = #tpu.core_type<tc>, window_params = [{transform_indices = @transform_0, window_bounds = array<i64: 1024, 32>}, {transform_indices = @transform_1, window_bounds = array<i64: 32, 1024>}]} {
    %get3A = arith.constant 0 : index
    %get3A_0 = arith.constant 0 : index
    %get3A_1 = vector.load %arg1[%get3A, %get3A_0] : memref<1024x32xf32, #tpu.memory_space<vmem>>, vector<1024x32xf32>
    %transpose3A = tpu.transpose %get3A_1, [1, 0] : vector<1024x32xf32> -> vector<32x1024xf32>
    %swap3A = arith.constant 0 : index
    %swap3A_2 = arith.constant 0 : index
    %swap3A_3 = vector.load %arg2[%swap3A, %swap3A_2] : memref<32x1024xf32, #tpu.memory_space<vmem>>, vector<32x1024xf32>
    tpu.vector_store %arg2[%swap3A, %swap3A_2], %transpose3A {strides = array<i32>} : memref<32x1024xf32, #tpu.memory_space<vmem>>, vector<32x1024xf32>,
    return
  }
  func.func @transform_0(%arg0: i32) -> (i32, i32) {
    %c0_i32 = arith.constant 0 : i32
    %c0_i32_0 = arith.constant 0 : i32
    return %arg0, %c0_i32 : i32, i32
  }
  func.func @transform_1(%arg0: i32) -> (i32, i32) {
    %c0_i32 = arith.constant 0 : i32
    %c0_i32_0 = arith.constant 0 : i32
    return %arg0, %c0_i32 : i32, i32
  }
}

</mosaic_0001>

<sc_bundles>
// kernel: kernel.12.cloned.1.call-start
scs
__scs_entry_jumppad:
0x0: {  	(pc) =	sbr.rel $0x88, $3  }
0x1: {  	(tag) =	ssettag $0x0;
	lr =	simm.s32 $0x1  }
0x2: {  	[smem:$0x3F92] =	sst lr;
	_ =	strace $0xD0000000  }
0x3: {  	_ = 	snop  }
0x4: {  	_ = 	snop  }
0x5: {  	_ = 	snop  }
0x6: {  	_ = 	snop  }
0x7: {  	_ = 	snop  }
__scs_overlays_trampoline_lowered:
0x8: {  	[smem:$0x3FA1] =	sst s0  }
0x9: {  	[smem:$0x3FA2] =	sst s1  }
0xa: {  	[smem:$0x3FA3] =	sst s2  }
0xb: {  	[smem:$0x3FA4] =	sst s3  }
0xc: {  	[smem:$0x3FA5] =	sst s4  }
0xd: {  	[smem:$0x3FA6] =	sst s5  }
0xe: {  	[smem:$0x3FA7] =	sst s6  }
0xf: {  	[smem:$0x3FA8] =	sst s7  }
0x10: {  	[smem:$0x3FA9] =	sst s8  }
0x11: {  	[smem:$0x3FAA] =	sst s9;
	s0 =	simm.s32 @!p0 $0x0  }
0x12: {  	s1 =	sld [smem:$0x3F90];
	s0 =	simm.s32 @p0 $0x1  }
0x13: {  	[smem:$0x3FAB] =	sst s0;
	s0 =	simm.s32 @!p1 $0x0  }
0x14: {  	s2 =	sld [smem:$0x3F8F];
	s0 =	simm.s32 @p1 $0x1  }
0x15: {  	[smem:$0x3FAC] =	sst s0;
	s0 =	simm.s32 @!p2 $0x0  }
0x16: {  	s3 =	sld [smem:$0x3FDB];
	s0 =	simm.s32 @p2 $0x1  }
0x17: {  	s4 =	simm.s32 $0x1BF5;
	[smem:$0x3FAE] =	sst s0  }
0x18: {  	s0 =	sld [smem:$0x3F91];
	_ =	swait.ge [sflag:s4], $0x0  }
0x19: {  	s7 =	sld [smem:$0x3F92]  }
0x1a: {  	s8 =	sadd.s32 $0xFFFFE003, lr  }
0x1b: {  	s9 =	sadd.s32 $0xFFFFFEF7, lr;
	s5 =	simm.s32 $0xFFFFFFFF;
	p2 =	slt.u32 s8, $0xFFFFF086  }
0x1c: {  	p1 =	slt.u32 s9, $0xF7A;
	s5 =	simm.s32 @!p2 $0x0  }
0x1d: {  	s5 =	simm.s32 @p1 $0x1;
	p0 =	seq.s32 s7, s2  }
0x1e: {  	s7 =	smul.u32 @!p0 $0xF7A, s2;
	p2 =	seq.s32 @!p0 s5, $0x0  }
0x1f: {  	s9 =	smul.u32 $0xF7A, s1;
	s8 =	simm.s32 @!p0 $0x1BF5;
	p2 =	por !p2, p0  }
0x20: {  	[sflag:s8] =	ssyncset.s32 @!p0 $0xFFFFF086;
	s6 =	sadd.s32 @!p0 s3, s7;
	s7 =	simm.s32 @!p0 $0x108  }
0x21: {  	s3 =	sadd.s32 s3, s9;
	s6 =	sadd.s32 @!p0 $0x88, s6;
	s7 =	simm.s32 @p2 $0x1082  }
0x22: {  	[simem:s7], [sflag:s8] =	dma.local @!p0 [hbm:s6], $0xF7A  }
0x23: {  	s9 =	sor.u32 $0xD0000000, s2;
	s6 =	simm.s32 $0x108;
	_ =	swait.ge @!p0 [sflag:s8], $0x0  }
0x24: {  	s3 =	sadd.s32 $0x88, s3;
	s6 =	simm.s32 @!p1 $0x1082;
	[sflag:s4] =	ssyncset.s32 $0xFFFFF086  }
0x25: {  	[simem:s6], [sflag:s4] =	dma.local [hbm:s3], $0xF7A  }
0x26: {  	[smem:$0x3F92] =	sst s1;
	(tag) =	ssettag s2;
	_ =	strace s9  }
0x27: {  	s1 =	sld [smem:$0x3FA2]  }
0x28: {  	s2 =	sld [smem:$0x3FA3]  }
0x29: {  	s4 =	sld [smem:$0x3FA5]  }
0x2a: {  	p0 =	seq.s32 s5, $0x0;
	s5 =	sld [smem:$0x3FA6]  }
0x2b: {  	s6 =	sld [smem:$0x3FA7]  }
0x2c: {  	s7 =	sld [smem:$0x3FA8]  }
0x2d: {  	s3 =	simm.s32 $0x108;
	s8 =	sld [smem:$0x3FA9]  }
0x2e: {  	s3 =	simm.s32 @!p0 $0x1082;
	s9 =	sld [smem:$0x3FAA]  }
0x2f: {  	lr =	sadd.s32 s0, s3;
	s0 =	sld [smem:$0x3FA1]  }
0x30: {  	s3 =	sld [smem:$0x3FA4]  }
0x31: {  	[smem:$0x3FAD] =	sst s10  }
0x32: {  	s10 =	sld [smem:$0x3FAB];
	_ =	sdelay $0x3  }
0x33: {  	p0 =	seq.s32 s10, $0x1;
	s10 =	sld [smem:$0x3FAD];
	_ =	sdelay $0x3  }
0x34: {  	[smem:$0x3FAD] =	sst s10  }
0x35: {  	s10 =	sld [smem:$0x3FAC];
	_ =	sdelay $0x3  }
0x36: {  	p1 =	seq.s32 s10, $0x1;
	s10 =	sld [smem:$0x3FAD];
	_ =	sdelay $0x3  }
0x37: {  	[smem:$0x3FAD] =	sst s10  }
0x38: {  	s10 =	sld [smem:$0x3FAE]  }
0x39: {  	_ = 	snop;
	(pc) =	sbr.ind lr, $3  }
0x3a: {  	_ = 	snop  }
0x3b: {  	_ = 	snop  }
0x3c: {  	p2 =	seq.s32 s10, $0x1;
	s10 =	sld [smem:$0x3FAD]  }
0x3d: {  	_ =	shalt  }
0x3e: {  	_ =	shalt  }
0x3f: {  	_ =	shalt  }
0x40: {  	_ =	shalt  }
0x41: {  	_ =	shalt  }
0x42: {  	_ =	shalt  }
0x43: {  	_ =	shalt  }
0x44: {  	_ =	shalt  }
0x45: {  	_ =	shalt  }
0x46: {  	_ =	shalt  }
0x47: {  	_ =	shalt  }
0x48: {  	_ =	shalt  }
0x49: {  	_ =	shalt  }
0x4a: {  	_ =	shalt  }
0x4b: {  	_ =	shalt  }
0x4c: {  	_ =	shalt  }
0x4d: {  	_ =	shalt  }
0x4e: {  	_ =	shalt  }
0x4f: {  	_ =	shalt  }
0x50: {  	_ =	shalt  }
0x51: {  	_ =	shalt  }
0x52: {  	_ =	shalt  }
0x53: {  	_ =	shalt  }
0x54: {  	_ =	shalt  }
0x55: {  	_ =	shalt  }
0x56: {  	_ =	shalt  }
0x57: {  	_ =	shalt  }
0x58: {  	_ =	shalt  }
0x59: {  	_ =	shalt  }
0x5a: {  	_ =	shalt  }
0x5b: {  	_ =	shalt  }
0x5c: {  	_ =	shalt  }
0x5d: {  	_ =	shalt  }
0x5e: {  	_ =	shalt  }
0x5f: {  	_ =	shalt  }
0x60: {  	_ =	shalt  }
0x61: {  	_ =	shalt  }
0x62: {  	_ =	shalt  }
0x63: {  	_ =	shalt  }
0x64: {  	_ =	shalt  }
0x65: {  	_ =	shalt  }
0x66: {  	_ =	shalt  }
0x67: {  	_ =	shalt  }
0x68: {  	_ =	shalt  }
0x69: {  	_ =	shalt  }
0x6a: {  	_ =	shalt  }
0x6b: {  	_ =	shalt  }
0x6c: {  	_ =	shalt  }
0x6d: {  	_ =	shalt  }
0x6e: {  	_ =	shalt  }
0x6f: {  	_ =	shalt  }
0x70: {  	_ =	shalt  }
0x71: {  	_ =	shalt  }
0x72: {  	_ =	shalt  }
0x73: {  	_ =	shalt  }
0x74: {  	_ =	shalt  }
0x75: {  	_ =	shalt  }
0x76: {  	_ =	shalt  }
0x77: {  	_ =	shalt  }
0x78: {  	_ =	shalt  }
0x79: {  	_ =	shalt  }
0x7a: {  	_ =	shalt  }
0x7b: {  	_ =	shalt  }
0x7c: {  	_ =	shalt  }
0x7d: {  	_ =	shalt  }
0x7e: {  	_ =	shalt  }
0x7f: {  	_ =	shalt  }
0x80: {  	_ =	shalt  }
0x81: {  	_ =	shalt  }
0x82: {  	_ =	shalt  }
0x83: {  	_ =	shalt  }
0x84: {  	_ =	shalt  }
0x85: {  	_ =	shalt  }
0x86: {  	_ =	shalt  }
0x87: {  	_ =	shalt  }
.Lfunc_end0:
.L_simem_size_0:
called_computation.1_lowered:
.L_overlay_start_0:
0x88: {  	s2 =	sld [smem:$0x3FD9]  }
0x89: {  	s3 =	sld [smem:$0x3FFE];
	_ =	sdelay $0x1  }
0x8a: {  	s1 =	srdreg.scid  }
0x8b: {  	s0 =	sand.u32 $0x1, s1  }
0x8c: {  	s15 =	sshll.u32 s0, $0xA;
	s2 =	sadd.s32 s3, s2  }
0x8d: {  	s2 =	sadd.s32 s2, s15  }
0x8e: {  	[smem:$0x3FB9] =	sst s2  }
0x8f: {  	_ = 	snop  }
0x90: {  	s2 =	sld [smem:$0x3FD0];
	_ =	sdelay $0x2  }
0x91: {  	s16 =	simm.s32 $0xC;
	s4 =	simm.s32 $0x10  }
0x92: {  	[smem:s4], [sflag:s16] =	dma.local [hbm:s2], $0x1  }
0x93: {  	_ =	swait.eq [sflag:s16], $0x1  }
0x94: {  	[sflag:s16] =	ssyncset.done $0x0  }
0x95: {  	[sflag:s16] =	ssyncadd.s32 $0xFFFFFFFF  }
0x96: {  	s17 =	sld [smem:$0x11];
	(tm) =	ssettm $0x1  }
0x97: {  	s18 =	sld [smem:$0x3FFB];
	_ =	sdelay $0x3  }
0x98: {  	_ =	strace s18  }
0x99: {  	s2 =	sld [smem:$0x3FFC];
	_ =	sdelay $0x3  }
0x9a: {  	_ =	strace s2  }
0x9b: {  	s2 =	sld [smem:$0x3FFD];
	_ =	sdelay $0x3  }
0x9c: {  	_ =	strace s2  }
0x9d: {  	_ =	strace $0x8FFFFFFF  }
0x9e: {  	s19 =	sld [smem:$0x3FDB];
	_ =	sdelay $0x1  }
0x9f: {  	s20 =	simm.s32 $_scs_section_size  }
0xa0: {  	s5 =	simm.s32 $_size__tile_overlayer_lowered;
	s6 =	simm.s32 $_tile_overlayer_lowered  }
0xa1: {  	s7 =	simm.s32 $0x1BFF;
	s21 =	sshll.u32 s6, $0x1;
	s4 =	sadd.s32 s20, s19  }
0xa2: {  	s22 =	simm.s32 $0x0;
	s5 =	sshll.u32 s5, $0x1;
	s6 =	sadd.s32 s21, s4  }
0xa3: {  	[timem:s22], [sflag:s7] =	dma.local [hbm:s6], s5  }
0xa4: {  	_ =	swait.ge [sflag:s7], s5  }
0xa5: {  	s5 =	ssub.s32 $0x0, s5;
	[sflag:s7] =	ssyncset.done $0x0  }
0xa6: {  	[sflag:s7] =	ssyncadd.s32 s5;
	_ =	sdelay $0x1  }
0xa7: {  	s23 =	simm.s32 $0x1B8B  }
0xa8: {  	_ =	swait.ge [sflag:s23], $0x1  }
0xa9: {  	[sflag:s23] =	ssyncset.done $0x0  }
0xaa: {  	[sflag:s23] =	ssyncadd.s32 $0xFFFFFFFF  }
0xab: {  	s5 =	sld [smem:$0x0]  }
0xac: {  	s6 =	sand.u32 $0xFFFFFFFE, s1  }
0xad: {  	p0 =	sne.s32 s1, s6  }
0xae: {  	s6 =	sshll.u32 @p0 s6, $0xE  }
0xaf: {  	s6 =	sadd.s32 @p0 $0x11B8D, s6;
	s7 =	sshll.u32 @p0 s5, $0x11  }
0xb0: {  	s6 =	sor.u32 @p0 s7, s6  }
0xb1: {  	[sflag:s6] =	ssyncadd.remote.s32 @p0 $0x1;
	_ =	sdelay $0x1  }
0xb2: {  	s6 =	simm.s32 @p0 $0x1B8D  }
0xb3: {  	_ =	swait.eq @p0 [sflag:s6], $0x1  }
0xb4: {  	[sflag:s6] =	ssyncadd.s32 @p0 $0xFFFFFFFF  }
0xb5: {  	s7 =	sshll.u32 @!p0 s1, $0xE  }
0xb6: {  	s7 =	sor.u32 @!p0 $0x4000, s7;
	s6 =	simm.s32 @!p0 $0x1B8D  }
0xb7: {  	s5 =	sshll.u32 @!p0 s5, $0x11;
	s7 =	sadd.s32 @!p0 $0x11B8D, s7;
	_ =	swait.eq @!p0 [sflag:s6], $0x1  }
0xb8: {  	s5 =	sor.u32 @!p0 s5, s7;
	[sflag:s6] =	ssyncadd.s32 @!p0 $0xFFFFFFFF  }
0xb9: {  	s25 =	simm.s32 $0x1B8E;
	s24 =	sld [smem:$0x3FFE];
	[sflag:s5] =	ssyncadd.remote.s32 @!p0 $0x1  }
0xba: {  	s26 =	simm.s32 $execute0_lowered;
	[smem:$0x3FD2] =	sst s25  }
0xbb: {  	s6 =	sshll.u32 s26, $0x1;
	_ =	strace $0x80000049;
	[dreg:$0x1] =	wrdreg $0xFFFFFFFF  }
0xbc: {  	s28 =	simm.s32 $_size_execute0_lowered;
	s4 =	sadd.s32 s4, s6;
	[dreg:$0x0] =	wrdreg $0x0  }
0xbd: {  	s6 =	sshll.u32 s28, $0x1;
	[dreg:$0x2] =	wrdreg s4  }
0xbe: {  	[dreg:$0x3] =	wrdreg s6  }
0xbf: {  	[dreg:$0x4] =	wrdreg $0xC0  }
0xc0: {  	_ =	task [dreg:s22], $0x5FFFF  }
0xc1: {  	[dreg:$0x1] =	wrdreg $0xFFFFFFFF  }
0xc2: {  	[dreg:$0x0] =	wrdreg $0x60  }
0xc3: {  	[dreg:$0x2] =	wrdreg s24  }
0xc4: {  	[dreg:$0x3] =	wrdreg s17  }
0xc5: {  	[dreg:$0x4] =	wrdreg $0xA  }
0xc6: {  	_ =	task.clear_ibuf [dreg:s22], $0x5FFFF;
	_ =	strace $0x90000049  }
0xc7: {  	s29 =	simm.s32 $0xA;
	_ =	strace $0x8000004B  }
0xc8: {  	_ =	swait.ge [sflag:s29], $0x1  }
0xc9: {  	[sflag:s29] =	ssyncadd.s32 $0xFFFFFFFF  }
0xca: {  	_ =	strace $0x9000004B  }
0xcb: {  	_ =	sfence  }
0xcc: {  	s30 =	sld [smem:$0x0];
	_ =	sdelay $0x2  }
0xcd: {  	s31 =	sshll.u32 s1, $0xD;
	s1 =	sshrl.u32 s1, $0x2  }
0xce: {  	s4 =	sand.u32 $0x4000, s31;
	s1 =	sadd.s32 s1, s30  }
0xcf: {  	s0 =	sor.u32 s4, s0;
	s1 =	sshll.u32 s1, $0x11  }
0xd0: {  	s0 =	sor.u32 s1, s0  }
0xd1: {  	s0 =	sadd.s32 $0x8F2B, s0  }
0xd2: {  	[sflag:s0] =	ssyncadd.remote.s32 $0x1  }
0xd3: {  	_ =	sfence.sel $0xFFFF  }
0xd4: {  	[dreg:$0x0] =	wrdreg $0xFFFFFFFF;
	(pc) =	sbr.abs _section_cstart, $3  }
0xd5: {  	[dreg:$0x1] =	wrdreg $0xFFFFFFFF  }
0xd6: {  	_ =	task.clear_ibuf [dreg:s22], $0x2FFFF;
	_ =	strace $0x9FFFFFFF  }
0xd7: {  	(tm) =	ssettm $0x7FFFFFFF  }
tec
execute0_lowered:
.L_overlay_start_1:
0x0: {  	(tag) =	ssettag $0x1  }
0x1: {  	s4 =	rddreg [dreg:$0x0];
	s1 =	srdreg.scid  }
0x2: {  	s0 =	stileid.u32;
	s8 =	rddreg [dreg:$0x1];
	s2 =	simm.s32 $0x0  }
0x3: {  	s14 =	simm.s32 $0x1;
	s15 =	simm.s32 $0x2;
	s9 =	smul.u32 $0x64000, s0  }
0x4: {  	s16 =	simm.s32 $0x0;
	s6 =	sand.u32 $0x1, s1;
	s12 =	smul.u32 $0xC800, s0  }
0x5: {  	s3 =	sshll.u32 s0, $0x1;
	s1 =	rddreg [dreg:$0x2];
	s11 =	smul.u32 $0x32000, s6  }
0x6: {  	[smem:$0x7FF] =	sst s2;
	s5 =	sor.u32 s6, s3;
	s13 =	smul.u32 $0x6400, s6  }
0x7: {  	_ =	strace $0x8000004A;
	s29 =	ssub.s32 $0x2, s6;
	s7 =	smul.u32 $0x320, s5  }
0x8: {  	s3 =	sadd.s32 $0xAA00, s4;
	s5 =	smul.u32 $0x32000, s5;
	s10 =	sshrl.u32 s29, $0x1  }
0x9: {  	s31 =	sadd.s32 s12, s8;
	s12 =	simm.s32 $0x1900;
	s9 =	sadd.s32 s11, s9  }
0xa: {  	s11 =	simm.s32 $0x80;
	s4 =	sadd.s32 s7, s4;
	s5 =	sshrl.u32 s5, $0x3  }
0xb: {  	s7 =	ssub.s32 s29, s10;
	s9 =	sshrl.u32 s9, $0x3;
	s10 =	sadd.s32 s13, s31  }
0xc: {  	s13 =	simm.s32 $0x2900;
	s30 =	sadd.s32 s8, s5;
	s4 =	sadd.s32 $0x6C600, s4  }
0xd: {  	s7 =	smax.u32 s7, $0x1;
	s8 =	sadd.s32 s9, s8;
	s9 =	sadd.s32 $0x200, s10  }
0xe: {  	s10 =	simm.s32 $0x3;
	s5 =	sadd.s32 $0x6000, s30;
	s6 =	sadd.s32 $0x6200, s30  }
.LBB2_1:
0xf: {  	[tilespmem:s2], [sflag:$0x3] =	stream.linear.gather [hbm4b:s4+s2], $0x1900, $0x38;
	[tilespmem:$0x3900] =	vst v63  }
0x10: {  	_ =	swait.ge [sflag:s10], $0x1900  }
0x11: {  	[sflag:s10] =	ssyncset.done $0x0  }
0x12: {  	[sflag:s10] =	ssyncadd.s32 $0xFFFFE700  }
0x13: {  	[tilespmem:s12], [sflag:$0x1] =	stream.indirect.gather [hbm4b:s3+s11], $0x20, s2, s11, $0xb8;
	[tilespmem:$0x3900] =	vst v63  }
0x14: {  	_ = 	snop  }
0x15: {  	[tilespmem:s13], [sflag:$0x2] =	stream.indirect.gather [hbm4b:s3+s11], $0x20, s11, s11, $0xb8;
	[tilespmem:$0x3900] =	vst v63  }
0x16: {  	_ =	swait.ge [sflag:s14], $0x1000  }
0x17: {  	[sflag:s14] =	ssyncset.done $0x0  }
0x18: {  	s17 =	sadd.s32 $0x0, s8;
	[sflag:s14] =	ssyncadd.s32 $0xFFFFF000  }
0x19: {  	[hbm4b:s17+s2] =	stream.linear.scatter [tilespmem:s12], [sflag:$0x3], $0x1000, $0x38;
	[tilespmem:$0x3900] =	vst v63  }
0x1a: {  	_ =	swait.ge [sflag:s10], $0x1000  }
0x1b: {  	[sflag:s10] =	ssyncset.done $0x0  }
0x1c: {  	s30 =	simm.s32 $0x100;
	[sflag:s10] =	ssyncadd.s32 $0xFFFFF000  }
0x1d: {  	[tilespmem:s12], [sflag:$0x1] =	stream.indirect.gather [hbm4b:s3+s11], $0x20, s30, s11, $0xb8;
	[tilespmem:$0x3900] =	vst v63  }
0x1e: {  	_ =	swait.ge [sflag:s15], $0x1000  }
0x1f: {  	[sflag:s15] =	ssyncset.done $0x0  }
0x20: {  	s31 =	sadd.s32 $0x0, s9;
	[sflag:s15] =	ssyncadd.s32 $0xFFFFF000  }
0x21: {  	[hbm4b:s31+s2] =	stream.linear.scatter [tilespmem:s13], [sflag:$0x3], $0x1000, $0x38;
	[tilespmem:$0x3900] =	vst v63  }
0x22: {  	_ =	swait.ge [sflag:s10], $0x1000  }
0x23: {  	[sflag:s10] =	ssyncset.done $0x0  }
0x24: {  	s18 =	simm.s32 $0x180;
	s17 =	simm.s32 $0x400;
	[sflag:s10] =	ssyncadd.s32 $0xFFFFF000  }
.LBB2_2:
0x25: {  	[tilespmem:s13], [sflag:$0x2] =	stream.indirect.gather [hbm4b:s3+s11], $0x20, s18, s11, $0xb8;
	[tilespmem:$0x3900] =	vst v63  }
0x26: {  	s18 =	smov.u32 s17  }
0x27: {  	p0 =	sne.s32 s17, $0x5C00;
	s17 =	sadd.s32 $0x400, s17;
	_ =	swait.ge [sflag:s14], $0x1000  }
0x28: {  	[sflag:s14] =	ssyncset.done $0x0  }
0x29: {  	s19 =	sadd.s32 s18, s8;
	[sflag:s14] =	ssyncadd.s32 $0xFFFFF000  }
0x2a: {  	[hbm4b:s19+s2] =	stream.linear.scatter [tilespmem:s12], [sflag:$0x3], $0x1000, $0x38;
	[tilespmem:$0x3900] =	vst v63  }
0x2b: {  	_ =	swait.ge [sflag:s10], $0x1000  }
0x2c: {  	s19 =	sshra.s32 s18, $0x2;
	[sflag:s10] =	ssyncset.done $0x0  }
0x2d: {  	s20 =	sadd.s32 $0x100, s19;
	[sflag:s10] =	ssyncadd.s32 $0xFFFFF000  }
0x2e: {  	[tilespmem:s12], [sflag:$0x1] =	stream.indirect.gather [hbm4b:s3+s11], $0x20, s20, s11, $0xb8;
	[tilespmem:$0x3900] =	vst v63  }
0x2f: {  	_ =	swait.ge [sflag:s15], $0x1000  }
0x30: {  	[sflag:s15] =	ssyncset.done $0x0  }
.Ltmp0:
0x31: {  	s18 =	sadd.s32 s18, s9;
	[sflag:s15] =	ssyncadd.s32 $0xFFFFF000;
	(pc) =	sbr.rel @p0 .LBB2_2-.Ltmp0, $4  }
0x32: {  	[hbm4b:s18+s2] =	stream.linear.scatter [tilespmem:s13], [sflag:$0x3], $0x1000, $0x38;
	[tilespmem:$0x3900] =	vst v63  }
0x33: {  	_ =	swait.ge [sflag:s10], $0x1000  }
0x34: {  	[sflag:s10] =	ssyncset.done $0x0  }
0x35: {  	s18 =	sadd.s32 $0x180, s19;
	[sflag:s10] =	ssyncadd.s32 $0xFFFFF000  }
0x36: {  	[tilespmem:s13], [sflag:$0x2] =	stream.indirect.gather [hbm4b:s3+s11], $0x20, s18, s11, $0xb8;
	[tilespmem:$0x3900] =	vst v63  }
0x37: {  	_ =	swait.ge [sflag:s14], $0x1000  }
0x38: {  	[sflag:s14] =	ssyncset.done $0x0  }
0x39: {  	[sflag:s14] =	ssyncadd.s32 $0xFFFFF000  }
0x3a: {  	[hbm4b:s5+s2] =	stream.linear.scatter [tilespmem:s12], [sflag:$0x3], $0x1000, $0x38;
	[tilespmem:$0x3900] =	vst v63  }
0x3b: {  	_ =	swait.ge [sflag:s10], $0x1000  }
0x3c: {  	[sflag:s10] =	ssyncset.done $0x0  }
0x3d: {  	[sflag:s10] =	ssyncadd.s32 $0xFFFFF000  }
0x3e: {  	s16 =	sadd.s32 $0x1, s16;
	_ =	swait.ge [sflag:s15], $0x1000  }
0x3f: {  	p0 =	sne.s32 s16, s7;
	[sflag:s15] =	ssyncset.done $0x0  }
.Ltmp1:
0x40: {  	[sflag:s15] =	ssyncadd.s32 $0xFFFFF000;
	(pc) =	sbr.rel @p0 .LBB2_1-.Ltmp1, $4  }
0x41: {  	[hbm4b:s6+s2] =	stream.linear.scatter [tilespmem:s13], [sflag:$0x3], $0x1000, $0x38;
	[tilespmem:$0x3900] =	vst v63  }
0x42: {  	_ =	swait.ge [sflag:s10], $0x1000  }
0x43: {  	[sflag:s10] =	ssyncset.done $0x0  }
0x44: {  	[sflag:s10] =	ssyncadd.s32 $0xFFFFF000  }
0x45: {  	_ =	sfence.sel $0x180000  }
0x46: {  	[bflag:$0x0] =	sbarrier.arrive $0xFFFF  }
0x47: {  	p0 =	sne.s32 s0, $0x0;
	_ =	strace $0x9000004A  }
0x48: {  	s0 =	sadd.s32 @!p0 $0x100000, s1;
	[bflag:$0x2] =	sbarrier.arrive $0xFFFF  }
0x49: {  	[sflag:s0] =	ssyncadd.tile.s32 @!p0 $0x1;
	_ =	shalt  }
.Lfunc_end2:
_tile_overlayer_lowered:
.L_overlay_start_2:
0x4a: {  	(tag) =	ssettag $0x2  }
0x4b: {  	s0 =	rddreg [dreg:$0x0];
	s2 =	stileid.u32  }
0x4c: {  	s1 =	rddreg [dreg:$0x1];
	p0 =	sne.s32 s2, $0x0  }
0x4d: {  	s3 =	rddreg [dreg:$0x2];
	[bflag:$0x3] =	sbarrier.arrive $0xFFFF;
	s2 =	simm.s32 @!p0 $0x1C03  }
0x4e: {  	[timem:s3], [sflag:s2] =	dma.local @!p0 [hbm:s0], s1  }
0x4f: {  	s0 =	simm.s32 @!p0 $0x3  }
0x50: {  	_ =	swait.ge @!p0 [sflag:s0], s1  }
0x51: {  	s1 =	ssub.s32 @!p0 $0x0, s1;
	[sflag:s0] =	ssyncset.done @!p0 $0x0  }
0x52: {  	[sflag:s0] =	ssyncadd.s32 @!p0 s1  }
0x53: {  	[bflag:$0x3] =	sbarrier.arrive $0xFFFF  }
0x54: {  	_ =	shalt  }

// kernel: kernel.15.cloned.1.call-start
scs
__scs_entry_jumppad:
0x0: {  	(pc) =	sbr.rel $0x88, $3  }
0x1: {  	(tag) =	ssettag $0x0;
	lr =	simm.s32 $0x1  }
0x2: {  	[smem:$0x3F92] =	sst lr;
	_ =	strace $0xD0000000  }
0x3: {  	_ = 	snop  }
0x4: {  	_ = 	snop  }
0x5: {  	_ = 	snop  }
0x6: {  	_ = 	snop  }
0x7: {  	_ = 	snop  }
__scs_overlays_trampoline_lowered:
0x8: {  	[smem:$0x3FA1] =	sst s0  }
0x9: {  	[smem:$0x3FA2] =	sst s1  }
0xa: {  	[smem:$0x3FA3] =	sst s2  }
0xb: {  	[smem:$0x3FA4] =	sst s3  }
0xc: {  	[smem:$0x3FA5] =	sst s4  }
0xd: {  	[smem:$0x3FA6] =	sst s5  }
0xe: {  	[smem:$0x3FA7] =	sst s6  }
0xf: {  	[smem:$0x3FA8] =	sst s7  }
0x10: {  	[smem:$0x3FA9] =	sst s8  }
0x11: {  	[smem:$0x3FAA] =	sst s9;
	s0 =	simm.s32 @!p0 $0x0  }
0x12: {  	s1 =	sld [smem:$0x3F90];
	s0 =	simm.s32 @p0 $0x1  }
0x13: {  	[smem:$0x3FAB] =	sst s0;
	s0 =	simm.s32 @!p1 $0x0  }
0x14: {  	s2 =	sld [smem:$0x3F8F];
	s0 =	simm.s32 @p1 $0x1  }
0x15: {  	[smem:$0x3FAC] =	sst s0;
	s0 =	simm.s32 @!p2 $0x0  }
0x16: {  	s3 =	sld [smem:$0x3FDB];
	s0 =	simm.s32 @p2 $0x1  }
0x17: {  	s4 =	simm.s32 $0x1BF5;
	[smem:$0x3FAE] =	sst s0  }
0x18: {  	s0 =	sld [smem:$0x3F91];
	_ =	swait.ge [sflag:s4], $0x0  }
0x19: {  	s7 =	sld [smem:$0x3F92]  }
0x1a: {  	s8 =	sadd.s32 $0xFFFFE003, lr  }
0x1b: {  	s9 =	sadd.s32 $0xFFFFFEF7, lr;
	s5 =	simm.s32 $0xFFFFFFFF;
	p2 =	slt.u32 s8, $0xFFFFF086  }
0x1c: {  	p1 =	slt.u32 s9, $0xF7A;
	s5 =	simm.s32 @!p2 $0x0  }
0x1d: {  	s5 =	simm.s32 @p1 $0x1;
	p0 =	seq.s32 s7, s2  }
0x1e: {  	s7 =	smul.u32 @!p0 $0xF7A, s2;
	p2 =	seq.s32 @!p0 s5, $0x0  }
0x1f: {  	s9 =	smul.u32 $0xF7A, s1;
	s8 =	simm.s32 @!p0 $0x1BF5;
	p2 =	por !p2, p0  }
0x20: {  	[sflag:s8] =	ssyncset.s32 @!p0 $0xFFFFF086;
	s6 =	sadd.s32 @!p0 s3, s7;
	s7 =	simm.s32 @!p0 $0x108  }
0x21: {  	s3 =	sadd.s32 s3, s9;
	s6 =	sadd.s32 @!p0 $0x88, s6;
	s7 =	simm.s32 @p2 $0x1082  }
0x22: {  	[simem:s7], [sflag:s8] =	dma.local @!p0 [hbm:s6], $0xF7A  }
0x23: {  	s9 =	sor.u32 $0xD0000000, s2;
	s6 =	simm.s32 $0x108;
	_ =	swait.ge @!p0 [sflag:s8], $0x0  }
0x24: {  	s3 =	sadd.s32 $0x88, s3;
	s6 =	simm.s32 @!p1 $0x1082;
	[sflag:s4] =	ssyncset.s32 $0xFFFFF086  }
0x25: {  	[simem:s6], [sflag:s4] =	dma.local [hbm:s3], $0xF7A  }
0x26: {  	[smem:$0x3F92] =	sst s1;
	(tag) =	ssettag s2;
	_ =	strace s9  }
0x27: {  	s1 =	sld [smem:$0x3FA2]  }
0x28: {  	s2 =	sld [smem:$0x3FA3]  }
0x29: {  	s4 =	sld [smem:$0x3FA5]  }
0x2a: {  	p0 =	seq.s32 s5, $0x0;
	s5 =	sld [smem:$0x3FA6]  }
0x2b: {  	s6 =	sld [smem:$0x3FA7]  }
0x2c: {  	s7 =	sld [smem:$0x3FA8]  }
0x2d: {  	s3 =	simm.s32 $0x108;
	s8 =	sld [smem:$0x3FA9]  }
0x2e: {  	s3 =	simm.s32 @!p0 $0x1082;
	s9 =	sld [smem:$0x3FAA]  }
0x2f: {  	lr =	sadd.s32 s0, s3;
	s0 =	sld [smem:$0x3FA1]  }
0x30: {  	s3 =	sld [smem:$0x3FA4]  }
0x31: {  	[smem:$0x3FAD] =	sst s10  }
0x32: {  	s10 =	sld [smem:$0x3FAB];
	_ =	sdelay $0x3  }
0x33: {  	p0 =	seq.s32 s10, $0x1;
	s10 =	sld [smem:$0x3FAD];
	_ =	sdelay $0x3  }
0x34: {  	[smem:$0x3FAD] =	sst s10  }
0x35: {  	s10 =	sld [smem:$0x3FAC];
	_ =	sdelay $0x3  }
0x36: {  	p1 =	seq.s32 s10, $0x1;
	s10 =	sld [smem:$0x3FAD];
	_ =	sdelay $0x3  }
0x37: {  	[smem:$0x3FAD] =	sst s10  }
0x38: {  	s10 =	sld [smem:$0x3FAE]  }
0x39: {  	_ = 	snop;
	(pc) =	sbr.ind lr, $3  }
0x3a: {  	_ = 	snop  }
0x3b: {  	_ = 	snop  }
0x3c: {  	p2 =	seq.s32 s10, $0x1;
	s10 =	sld [smem:$0x3FAD]  }
0x3d: {  	_ =	shalt  }
0x3e: {  	_ =	shalt  }
0x3f: {  	_ =	shalt  }
0x40: {  	_ =	shalt  }
0x41: {  	_ =	shalt  }
0x42: {  	_ =	shalt  }
0x43: {  	_ =	shalt  }
0x44: {  	_ =	shalt  }
0x45: {  	_ =	shalt  }
0x46: {  	_ =	shalt  }
0x47: {  	_ =	shalt  }
0x48: {  	_ =	shalt  }
0x49: {  	_ =	shalt  }
0x4a: {  	_ =	shalt  }
0x4b: {  	_ =	shalt  }
0x4c: {  	_ =	shalt  }
0x4d: {  	_ =	shalt  }
0x4e: {  	_ =	shalt  }
0x4f: {  	_ =	shalt  }
0x50: {  	_ =	shalt  }
0x51: {  	_ =	shalt  }
0x52: {  	_ =	shalt  }
0x53: {  	_ =	shalt  }
0x54: {  	_ =	shalt  }
0x55: {  	_ =	shalt  }
0x56: {  	_ =	shalt  }
0x57: {  	_ =	shalt  }
0x58: {  	_ =	shalt  }
0x59: {  	_ =	shalt  }
0x5a: {  	_ =	shalt  }
0x5b: {  	_ =	shalt  }
0x5c: {  	_ =	shalt  }
0x5d: {  	_ =	shalt  }
0x5e: {  	_ =	shalt  }
0x5f: {  	_ =	shalt  }
0x60: {  	_ =	shalt  }
0x61: {  	_ =	shalt  }
0x62: {  	_ =	shalt  }
0x63: {  	_ =	shalt  }
0x64: {  	_ =	shalt  }
0x65: {  	_ =	shalt  }
0x66: {  	_ =	shalt  }
0x67: {  	_ =	shalt  }
0x68: {  	_ =	shalt  }
0x69: {  	_ =	shalt  }
0x6a: {  	_ =	shalt  }
0x6b: {  	_ =	shalt  }
0x6c: {  	_ =	shalt  }
0x6d: {  	_ =	shalt  }
0x6e: {  	_ =	shalt  }
0x6f: {  	_ =	shalt  }
0x70: {  	_ =	shalt  }
0x71: {  	_ =	shalt  }
0x72: {  	_ =	shalt  }
0x73: {  	_ =	shalt  }
0x74: {  	_ =	shalt  }
0x75: {  	_ =	shalt  }
0x76: {  	_ =	shalt  }
0x77: {  	_ =	shalt  }
0x78: {  	_ =	shalt  }
0x79: {  	_ =	shalt  }
0x7a: {  	_ =	shalt  }
0x7b: {  	_ =	shalt  }
0x7c: {  	_ =	shalt  }
0x7d: {  	_ =	shalt  }
0x7e: {  	_ =	shalt  }
0x7f: {  	_ =	shalt  }
0x80: {  	_ =	shalt  }
0x81: {  	_ =	shalt  }
0x82: {  	_ =	shalt  }
0x83: {  	_ =	shalt  }
0x84: {  	_ =	shalt  }
0x85: {  	_ =	shalt  }
0x86: {  	_ =	shalt  }
0x87: {  	_ =	shalt  }
.Lfunc_end0:
.L_simem_size_0:
called_computation.2_lowered:
.L_overlay_start_0:
0x88: {  	s2 =	sld [smem:$0x3FD9]  }
0x89: {  	s3 =	sld [smem:$0x3FFE];
	_ =	sdelay $0x1  }
0x8a: {  	s1 =	srdreg.scid  }
0x8b: {  	s0 =	sand.u32 $0x1, s1  }
0x8c: {  	s15 =	sshll.u32 s0, $0xA;
	s2 =	sadd.s32 s3, s2  }
0x8d: {  	s2 =	sadd.s32 s2, s15  }
0x8e: {  	[smem:$0x3FB9] =	sst s2  }
0x8f: {  	_ = 	snop  }
0x90: {  	s2 =	sld [smem:$0x3FD0];
	_ =	sdelay $0x2  }
0x91: {  	s16 =	simm.s32 $0xC;
	s4 =	simm.s32 $0x10  }
0x92: {  	[smem:s4], [sflag:s16] =	dma.local [hbm:s2], $0x1  }
0x93: {  	_ =	swait.eq [sflag:s16], $0x1  }
0x94: {  	[sflag:s16] =	ssyncset.done $0x0  }
0x95: {  	[sflag:s16] =	ssyncadd.s32 $0xFFFFFFFF  }
0x96: {  	s17 =	sld [smem:$0x12];
	(tm) =	ssettm $0x1  }
0x97: {  	s18 =	sld [smem:$0x3FFB];
	_ =	sdelay $0x3  }
0x98: {  	_ =	strace s18  }
0x99: {  	s2 =	sld [smem:$0x3FFC];
	_ =	sdelay $0x3  }
0x9a: {  	_ =	strace s2  }
0x9b: {  	s2 =	sld [smem:$0x3FFD];
	_ =	sdelay $0x3  }
0x9c: {  	_ =	strace s2  }
0x9d: {  	_ =	strace $0x8FFFFFFF  }
0x9e: {  	s19 =	sld [smem:$0x3FDB];
	_ =	sdelay $0x1  }
0x9f: {  	s20 =	simm.s32 $_scs_section_size  }
0xa0: {  	s5 =	simm.s32 $_size__tile_overlayer_lowered;
	s6 =	simm.s32 $_tile_overlayer_lowered  }
0xa1: {  	s7 =	simm.s32 $0x1BFF;
	s21 =	sshll.u32 s6, $0x1;
	s4 =	sadd.s32 s20, s19  }
0xa2: {  	s22 =	simm.s32 $0x0;
	s5 =	sshll.u32 s5, $0x1;
	s6 =	sadd.s32 s21, s4  }
0xa3: {  	[timem:s22], [sflag:s7] =	dma.local [hbm:s6], s5  }
0xa4: {  	_ =	swait.ge [sflag:s7], s5  }
0xa5: {  	s5 =	ssub.s32 $0x0, s5;
	[sflag:s7] =	ssyncset.done $0x0  }
0xa6: {  	[sflag:s7] =	ssyncadd.s32 s5;
	_ =	sdelay $0x1  }
0xa7: {  	s23 =	simm.s32 $0x1B8B  }
0xa8: {  	_ =	swait.ge [sflag:s23], $0x1  }
0xa9: {  	[sflag:s23] =	ssyncset.done $0x0  }
0xaa: {  	[sflag:s23] =	ssyncadd.s32 $0xFFFFFFFF  }
0xab: {  	s5 =	sld [smem:$0x0]  }
0xac: {  	s6 =	sand.u32 $0xFFFFFFFE, s1  }
0xad: {  	p0 =	sne.s32 s1, s6  }
0xae: {  	s6 =	sshll.u32 @p0 s6, $0xE  }
0xaf: {  	s6 =	sadd.s32 @p0 $0x11B8D, s6;
	s7 =	sshll.u32 @p0 s5, $0x11  }
0xb0: {  	s6 =	sor.u32 @p0 s7, s6  }
0xb1: {  	[sflag:s6] =	ssyncadd.remote.s32 @p0 $0x1;
	_ =	sdelay $0x1  }
0xb2: {  	s6 =	simm.s32 @p0 $0x1B8D  }
0xb3: {  	_ =	swait.eq @p0 [sflag:s6], $0x1  }
0xb4: {  	[sflag:s6] =	ssyncadd.s32 @p0 $0xFFFFFFFF  }
0xb5: {  	s7 =	sshll.u32 @!p0 s1, $0xE  }
0xb6: {  	s7 =	sor.u32 @!p0 $0x4000, s7;
	s6 =	simm.s32 @!p0 $0x1B8D  }
0xb7: {  	s5 =	sshll.u32 @!p0 s5, $0x11;
	s7 =	sadd.s32 @!p0 $0x11B8D, s7;
	_ =	swait.eq @!p0 [sflag:s6], $0x1  }
0xb8: {  	s5 =	sor.u32 @!p0 s5, s7;
	[sflag:s6] =	ssyncadd.s32 @!p0 $0xFFFFFFFF  }
0xb9: {  	s25 =	simm.s32 $0x1B8E;
	s24 =	sld [smem:$0x3FFE];
	[sflag:s5] =	ssyncadd.remote.s32 @!p0 $0x1  }
0xba: {  	s26 =	simm.s32 $execute0_lowered;
	[smem:$0x3FD2] =	sst s25  }
0xbb: {  	s6 =	sshll.u32 s26, $0x1;
	_ =	strace $0x8000004C;
	[dreg:$0x1] =	wrdreg $0xFFFFFFFF  }
0xbc: {  	s28 =	simm.s32 $_size_execute0_lowered;
	s4 =	sadd.s32 s4, s6;
	[dreg:$0x0] =	wrdreg $0x0  }
0xbd: {  	s6 =	sshll.u32 s28, $0x1;
	[dreg:$0x2] =	wrdreg s4  }
0xbe: {  	[dreg:$0x3] =	wrdreg s6  }
0xbf: {  	[dreg:$0x4] =	wrdreg $0xC0  }
0xc0: {  	_ =	task [dreg:s22], $0x5FFFF  }
0xc1: {  	[dreg:$0x1] =	wrdreg $0xFFFFFFFF  }
0xc2: {  	[dreg:$0x0] =	wrdreg $0x60  }
0xc3: {  	[dreg:$0x2] =	wrdreg s24  }
0xc4: {  	[dreg:$0x3] =	wrdreg s17  }
0xc5: {  	[dreg:$0x4] =	wrdreg $0xB  }
0xc6: {  	_ =	task.clear_ibuf [dreg:s22], $0x5FFFF;
	_ =	strace $0x9000004C  }
0xc7: {  	s29 =	simm.s32 $0xB;
	_ =	strace $0x8000004E  }
0xc8: {  	_ =	swait.ge [sflag:s29], $0x1  }
0xc9: {  	[sflag:s29] =	ssyncadd.s32 $0xFFFFFFFF  }
0xca: {  	_ =	strace $0x9000004E  }
0xcb: {  	_ =	sfence  }
0xcc: {  	s30 =	sld [smem:$0x0];
	_ =	sdelay $0x2  }
0xcd: {  	s31 =	sshll.u32 s1, $0xD;
	s1 =	sshrl.u32 s1, $0x2  }
0xce: {  	s4 =	sand.u32 $0x4000, s31;
	s1 =	sadd.s32 s1, s30  }
0xcf: {  	s0 =	sor.u32 s4, s0;
	s1 =	sshll.u32 s1, $0x11  }
0xd0: {  	s0 =	sor.u32 s1, s0  }
0xd1: {  	s0 =	sadd.s32 $0x8F2B, s0  }
0xd2: {  	[sflag:s0] =	ssyncadd.remote.s32 $0x1  }
0xd3: {  	_ =	sfence.sel $0xFFFF  }
0xd4: {  	[dreg:$0x0] =	wrdreg $0xFFFFFFFF;
	(pc) =	sbr.abs _section_cstart, $3  }
0xd5: {  	[dreg:$0x1] =	wrdreg $0xFFFFFFFF  }
0xd6: {  	_ =	task.clear_ibuf [dreg:s22], $0x2FFFF;
	_ =	strace $0x9FFFFFFF  }
0xd7: {  	(tm) =	ssettm $0x7FFFFFFF  }
tec
execute0_lowered:
.L_overlay_start_1:
0x0: {  	(tag) =	ssettag $0x1  }
0x1: {  	s4 =	rddreg [dreg:$0x0];
	s1 =	srdreg.scid  }
0x2: {  	s0 =	stileid.u32;
	s8 =	rddreg [dreg:$0x1];
	s2 =	simm.s32 $0x0  }
0x3: {  	s14 =	simm.s32 $0x1;
	s15 =	simm.s32 $0x2;
	s9 =	smul.u32 $0x64000, s0  }
0x4: {  	s16 =	simm.s32 $0x0;
	s6 =	sand.u32 $0x1, s1;
	s12 =	smul.u32 $0xC800, s0  }
0x5: {  	s3 =	sshll.u32 s0, $0x1;
	s1 =	rddreg [dreg:$0x2];
	s11 =	smul.u32 $0x32000, s6  }
0x6: {  	[smem:$0x7FF] =	sst s2;
	s5 =	sor.u32 s6, s3;
	s13 =	smul.u32 $0x6400, s6  }
0x7: {  	_ =	strace $0x8000004D;
	s29 =	ssub.s32 $0x2, s6;
	s7 =	smul.u32 $0x320, s5  }
0x8: {  	s3 =	sadd.s32 $0x72A00, s4;
	s5 =	smul.u32 $0x32000, s5;
	s10 =	sshrl.u32 s29, $0x1  }
0x9: {  	s31 =	sadd.s32 s12, s8;
	s12 =	simm.s32 $0x1900;
	s9 =	sadd.s32 s11, s9  }
0xa: {  	s11 =	simm.s32 $0x80;
	s4 =	sadd.s32 s7, s4;
	s5 =	sshrl.u32 s5, $0x3  }
0xb: {  	s7 =	ssub.s32 s29, s10;
	s9 =	sshrl.u32 s9, $0x3;
	s10 =	sadd.s32 s13, s31  }
0xc: {  	s13 =	simm.s32 $0x2900;
	s30 =	sadd.s32 s8, s5;
	s4 =	sadd.s32 $0xD4600, s4  }
0xd: {  	s7 =	smax.u32 s7, $0x1;
	s8 =	sadd.s32 s9, s8;
	s9 =	sadd.s32 $0x200, s10  }
0xe: {  	s10 =	simm.s32 $0x3;
	s5 =	sadd.s32 $0x6000, s30;
	s6 =	sadd.s32 $0x6200, s30  }
.LBB2_1:
0xf: {  	[tilespmem:s2], [sflag:$0x3] =	stream.linear.gather [hbm4b:s4+s2], $0x1900, $0x38;
	[tilespmem:$0x3900] =	vst v63  }
0x10: {  	_ =	swait.ge [sflag:s10], $0x1900  }
0x11: {  	[sflag:s10] =	ssyncset.done $0x0  }
0x12: {  	[sflag:s10] =	ssyncadd.s32 $0xFFFFE700  }
0x13: {  	[tilespmem:s12], [sflag:$0x1] =	stream.indirect.gather [hbm4b:s3+s11], $0x20, s2, s11, $0xb8;
	[tilespmem:$0x3900] =	vst v63  }
0x14: {  	_ = 	snop  }
0x15: {  	[tilespmem:s13], [sflag:$0x2] =	stream.indirect.gather [hbm4b:s3+s11], $0x20, s11, s11, $0xb8;
	[tilespmem:$0x3900] =	vst v63  }
0x16: {  	_ =	swait.ge [sflag:s14], $0x1000  }
0x17: {  	[sflag:s14] =	ssyncset.done $0x0  }
0x18: {  	s17 =	sadd.s32 $0x0, s8;
	[sflag:s14] =	ssyncadd.s32 $0xFFFFF000  }
0x19: {  	[hbm4b:s17+s2] =	stream.linear.scatter [tilespmem:s12], [sflag:$0x3], $0x1000, $0x38;
	[tilespmem:$0x3900] =	vst v63  }
0x1a: {  	_ =	swait.ge [sflag:s10], $0x1000  }
0x1b: {  	[sflag:s10] =	ssyncset.done $0x0  }
0x1c: {  	s30 =	simm.s32 $0x100;
	[sflag:s10] =	ssyncadd.s32 $0xFFFFF000  }
0x1d: {  	[tilespmem:s12], [sflag:$0x1] =	stream.indirect.gather [hbm4b:s3+s11], $0x20, s30, s11, $0xb8;
	[tilespmem:$0x3900] =	vst v63  }
0x1e: {  	_ =	swait.ge [sflag:s15], $0x1000  }
0x1f: {  	[sflag:s15] =	ssyncset.done $0x0  }
0x20: {  	s31 =	sadd.s32 $0x0, s9;
	[sflag:s15] =	ssyncadd.s32 $0xFFFFF000  }
0x21: {  	[hbm4b:s31+s2] =	stream.linear.scatter [tilespmem:s13], [sflag:$0x3], $0x1000, $0x38;
	[tilespmem:$0x3900] =	vst v63  }
0x22: {  	_ =	swait.ge [sflag:s10], $0x1000  }
0x23: {  	[sflag:s10] =	ssyncset.done $0x0  }
0x24: {  	s18 =	simm.s32 $0x180;
	s17 =	simm.s32 $0x400;
	[sflag:s10] =	ssyncadd.s32 $0xFFFFF000  }
.LBB2_2:
0x25: {  	[tilespmem:s13], [sflag:$0x2] =	stream.indirect.gather [hbm4b:s3+s11], $0x20, s18, s11, $0xb8;
	[tilespmem:$0x3900] =	vst v63  }
0x26: {  	s18 =	smov.u32 s17  }
0x27: {  	p0 =	sne.s32 s17, $0x5C00;
	s17 =	sadd.s32 $0x400, s17;
	_ =	swait.ge [sflag:s14], $0x1000  }
0x28: {  	[sflag:s14] =	ssyncset.done $0x0  }
0x29: {  	s19 =	sadd.s32 s18, s8;
	[sflag:s14] =	ssyncadd.s32 $0xFFFFF000  }
0x2a: {  	[hbm4b:s19+s2] =	stream.linear.scatter [tilespmem:s12], [sflag:$0x3], $0x1000, $0x38;
	[tilespmem:$0x3900] =	vst v63  }
0x2b: {  	_ =	swait.ge [sflag:s10], $0x1000  }
0x2c: {  	s19 =	sshra.s32 s18, $0x2;
	[sflag:s10] =	ssyncset.done $0x0  }
0x2d: {  	s20 =	sadd.s32 $0x100, s19;
	[sflag:s10] =	ssyncadd.s32 $0xFFFFF000  }
0x2e: {  	[tilespmem:s12], [sflag:$0x1] =	stream.indirect.gather [hbm4b:s3+s11], $0x20, s20, s11, $0xb8;
	[tilespmem:$0x3900] =	vst v63  }
0x2f: {  	_ =	swait.ge [sflag:s15], $0x1000  }
0x30: {  	[sflag:s15] =	ssyncset.done $0x0  }
.Ltmp0:
0x31: {  	s18 =	sadd.s32 s18, s9;
	[sflag:s15] =	ssyncadd.s32 $0xFFFFF000;
	(pc) =	sbr.rel @p0 .LBB2_2-.Ltmp0, $4  }
0x32: {  	[hbm4b:s18+s2] =	stream.linear.scatter [tilespmem:s13], [sflag:$0x3], $0x1000, $0x38;
	[tilespmem:$0x3900] =	vst v63  }
0x33: {  	_ =	swait.ge [sflag:s10], $0x1000  }
0x34: {  	[sflag:s10] =	ssyncset.done $0x0  }
0x35: {  	s18 =	sadd.s32 $0x180, s19;
	[sflag:s10] =	ssyncadd.s32 $0xFFFFF000  }
0x36: {  	[tilespmem:s13], [sflag:$0x2] =	stream.indirect.gather [hbm4b:s3+s11], $0x20, s18, s11, $0xb8;
	[tilespmem:$0x3900] =	vst v63  }
0x37: {  	_ =	swait.ge [sflag:s14], $0x1000  }
0x38: {  	[sflag:s14] =	ssyncset.done $0x0  }
0x39: {  	[sflag:s14] =	ssyncadd.s32 $0xFFFFF000  }
0x3a: {  	[hbm4b:s5+s2] =	stream.linear.scatter [tilespmem:s12], [sflag:$0x3], $0x1000, $0x38;
	[tilespmem:$0x3900] =	vst v63  }
0x3b: {  	_ =	swait.ge [sflag:s10], $0x1000  }
0x3c: {  	[sflag:s10] =	ssyncset.done $0x0  }
0x3d: {  	[sflag:s10] =	ssyncadd.s32 $0xFFFFF000  }
0x3e: {  	s16 =	sadd.s32 $0x1, s16;
	_ =	swait.ge [sflag:s15], $0x1000  }
0x3f: {  	p0 =	sne.s32 s16, s7;
	[sflag:s15] =	ssyncset.done $0x0  }
.Ltmp1:
0x40: {  	[sflag:s15] =	ssyncadd.s32 $0xFFFFF000;
	(pc) =	sbr.rel @p0 .LBB2_1-.Ltmp1, $4  }
0x41: {  	[hbm4b:s6+s2] =	stream.linear.scatter [tilespmem:s13], [sflag:$0x3], $0x1000, $0x38;
	[tilespmem:$0x3900] =	vst v63  }
0x42: {  	_ =	swait.ge [sflag:s10], $0x1000  }
0x43: {  	[sflag:s10] =	ssyncset.done $0x0  }
0x44: {  	[sflag:s10] =	ssyncadd.s32 $0xFFFFF000  }
0x45: {  	_ =	sfence.sel $0x180000  }
0x46: {  	[bflag:$0x0] =	sbarrier.arrive $0xFFFF  }
0x47: {  	p0 =	sne.s32 s0, $0x0;
	_ =	strace $0x9000004D  }
0x48: {  	s0 =	sadd.s32 @!p0 $0x100000, s1;
	[bflag:$0x2] =	sbarrier.arrive $0xFFFF  }
0x49: {  	[sflag:s0] =	ssyncadd.tile.s32 @!p0 $0x1;
	_ =	shalt  }
.Lfunc_end2:
_tile_overlayer_lowered:
.L_overlay_start_2:
0x4a: {  	(tag) =	ssettag $0x2  }
0x4b: {  	s0 =	rddreg [dreg:$0x0];
	s2 =	stileid.u32  }
0x4c: {  	s1 =	rddreg [dreg:$0x1];
	p0 =	sne.s32 s2, $0x0  }
0x4d: {  	s3 =	rddreg [dreg:$0x2];
	[bflag:$0x3] =	sbarrier.arrive $0xFFFF;
	s2 =	simm.s32 @!p0 $0x1C03  }
0x4e: {  	[timem:s3], [sflag:s2] =	dma.local @!p0 [hbm:s0], s1  }
0x4f: {  	s0 =	simm.s32 @!p0 $0x3  }
0x50: {  	_ =	swait.ge @!p0 [sflag:s0], s1  }
0x51: {  	s1 =	ssub.s32 @!p0 $0x0, s1;
	[sflag:s0] =	ssyncset.done @!p0 $0x0  }
0x52: {  	[sflag:s0] =	ssyncadd.s32 @!p0 s1  }
0x53: {  	[bflag:$0x3] =	sbarrier.arrive $0xFFFF  }
0x54: {  	_ =	shalt  }

// kernel: kernel.9.cloned.1.call-start
scs
__scs_entry_jumppad:
0x0: {  	(pc) =	sbr.rel $0x88, $3  }
0x1: {  	(tag) =	ssettag $0x0;
	lr =	simm.s32 $0x1  }
0x2: {  	[smem:$0x3F92] =	sst lr;
	_ =	strace $0xD0000000  }
0x3: {  	_ = 	snop  }
0x4: {  	_ = 	snop  }
0x5: {  	_ = 	snop  }
0x6: {  	_ = 	snop  }
0x7: {  	_ = 	snop  }
__scs_overlays_trampoline_lowered:
0x8: {  	[smem:$0x3FA1] =	sst s0  }
0x9: {  	[smem:$0x3FA2] =	sst s1  }
0xa: {  	[smem:$0x3FA3] =	sst s2  }
0xb: {  	[smem:$0x3FA4] =	sst s3  }
0xc: {  	[smem:$0x3FA5] =	sst s4  }
0xd: {  	[smem:$0x3FA6] =	sst s5  }
0xe: {  	[smem:$0x3FA7] =	sst s6  }
0xf: {  	[smem:$0x3FA8] =	sst s7  }
0x10: {  	[smem:$0x3FA9] =	sst s8  }
0x11: {  	[smem:$0x3FAA] =	sst s9;
	s0 =	simm.s32 @!p0 $0x0  }
0x12: {  	s1 =	sld [smem:$0x3F90];
	s0 =	simm.s32 @p0 $0x1  }
0x13: {  	[smem:$0x3FAB] =	sst s0;
	s0 =	simm.s32 @!p1 $0x0  }
0x14: {  	s2 =	sld [smem:$0x3F8F];
	s0 =	simm.s32 @p1 $0x1  }
0x15: {  	[smem:$0x3FAC] =	sst s0;
	s0 =	simm.s32 @!p2 $0x0  }
0x16: {  	s3 =	sld [smem:$0x3FDB];
	s0 =	simm.s32 @p2 $0x1  }
0x17: {  	s4 =	simm.s32 $0x1BF5;
	[smem:$0x3FAE] =	sst s0  }
0x18: {  	s0 =	sld [smem:$0x3F91];
	_ =	swait.ge [sflag:s4], $0x0  }
0x19: {  	s7 =	sld [smem:$0x3F92]  }
0x1a: {  	s8 =	sadd.s32 $0xFFFFE003, lr  }
0x1b: {  	s9 =	sadd.s32 $0xFFFFFEF7, lr;
	s5 =	simm.s32 $0xFFFFFFFF;
	p2 =	slt.u32 s8, $0xFFFFF086  }
0x1c: {  	p1 =	slt.u32 s9, $0xF7A;
	s5 =	simm.s32 @!p2 $0x0  }
0x1d: {  	s5 =	simm.s32 @p1 $0x1;
	p0 =	seq.s32 s7, s2  }
0x1e: {  	s7 =	smul.u32 @!p0 $0xF7A, s2;
	p2 =	seq.s32 @!p0 s5, $0x0  }
0x1f: {  	s9 =	smul.u32 $0xF7A, s1;
	s8 =	simm.s32 @!p0 $0x1BF5;
	p2 =	por !p2, p0  }
0x20: {  	[sflag:s8] =	ssyncset.s32 @!p0 $0xFFFFF086;
	s6 =	sadd.s32 @!p0 s3, s7;
	s7 =	simm.s32 @!p0 $0x108  }
0x21: {  	s3 =	sadd.s32 s3, s9;
	s6 =	sadd.s32 @!p0 $0x88, s6;
	s7 =	simm.s32 @p2 $0x1082  }
0x22: {  	[simem:s7], [sflag:s8] =	dma.local @!p0 [hbm:s6], $0xF7A  }
0x23: {  	s9 =	sor.u32 $0xD0000000, s2;
	s6 =	simm.s32 $0x108;
	_ =	swait.ge @!p0 [sflag:s8], $0x0  }
0x24: {  	s3 =	sadd.s32 $0x88, s3;
	s6 =	simm.s32 @!p1 $0x1082;
	[sflag:s4] =	ssyncset.s32 $0xFFFFF086  }
0x25: {  	[simem:s6], [sflag:s4] =	dma.local [hbm:s3], $0xF7A  }
0x26: {  	[smem:$0x3F92] =	sst s1;
	(tag) =	ssettag s2;
	_ =	strace s9  }
0x27: {  	s1 =	sld [smem:$0x3FA2]  }
0x28: {  	s2 =	sld [smem:$0x3FA3]  }
0x29: {  	s4 =	sld [smem:$0x3FA5]  }
0x2a: {  	p0 =	seq.s32 s5, $0x0;
	s5 =	sld [smem:$0x3FA6]  }
0x2b: {  	s6 =	sld [smem:$0x3FA7]  }
0x2c: {  	s7 =	sld [smem:$0x3FA8]  }
0x2d: {  	s3 =	simm.s32 $0x108;
	s8 =	sld [smem:$0x3FA9]  }
0x2e: {  	s3 =	simm.s32 @!p0 $0x1082;
	s9 =	sld [smem:$0x3FAA]  }
0x2f: {  	lr =	sadd.s32 s0, s3;
	s0 =	sld [smem:$0x3FA1]  }
0x30: {  	s3 =	sld [smem:$0x3FA4]  }
0x31: {  	[smem:$0x3FAD] =	sst s10  }
0x32: {  	s10 =	sld [smem:$0x3FAB];
	_ =	sdelay $0x3  }
0x33: {  	p0 =	seq.s32 s10, $0x1;
	s10 =	sld [smem:$0x3FAD];
	_ =	sdelay $0x3  }
0x34: {  	[smem:$0x3FAD] =	sst s10  }
0x35: {  	s10 =	sld [smem:$0x3FAC];
	_ =	sdelay $0x3  }
0x36: {  	p1 =	seq.s32 s10, $0x1;
	s10 =	sld [smem:$0x3FAD];
	_ =	sdelay $0x3  }
0x37: {  	[smem:$0x3FAD] =	sst s10  }
0x38: {  	s10 =	sld [smem:$0x3FAE]  }
0x39: {  	_ = 	snop;
	(pc) =	sbr.ind lr, $3  }
0x3a: {  	_ = 	snop  }
0x3b: {  	_ = 	snop  }
0x3c: {  	p2 =	seq.s32 s10, $0x1;
	s10 =	sld [smem:$0x3FAD]  }
0x3d: {  	_ =	shalt  }
0x3e: {  	_ =	shalt  }
0x3f: {  	_ =	shalt  }
0x40: {  	_ =	shalt  }
0x41: {  	_ =	shalt  }
0x42: {  	_ =	shalt  }
0x43: {  	_ =	shalt  }
0x44: {  	_ =	shalt  }
0x45: {  	_ =	shalt  }
0x46: {  	_ =	shalt  }
0x47: {  	_ =	shalt  }
0x48: {  	_ =	shalt  }
0x49: {  	_ =	shalt  }
0x4a: {  	_ =	shalt  }
0x4b: {  	_ =	shalt  }
0x4c: {  	_ =	shalt  }
0x4d: {  	_ =	shalt  }
0x4e: {  	_ =	shalt  }
0x4f: {  	_ =	shalt  }
0x50: {  	_ =	shalt  }
0x51: {  	_ =	shalt  }
0x52: {  	_ =	shalt  }
0x53: {  	_ =	shalt  }
0x54: {  	_ =	shalt  }
0x55: {  	_ =	shalt  }
0x56: {  	_ =	shalt  }
0x57: {  	_ =	shalt  }
0x58: {  	_ =	shalt  }
0x59: {  	_ =	shalt  }
0x5a: {  	_ =	shalt  }
0x5b: {  	_ =	shalt  }
0x5c: {  	_ =	shalt  }
0x5d: {  	_ =	shalt  }
0x5e: {  	_ =	shalt  }
0x5f: {  	_ =	shalt  }
0x60: {  	_ =	shalt  }
0x61: {  	_ =	shalt  }
0x62: {  	_ =	shalt  }
0x63: {  	_ =	shalt  }
0x64: {  	_ =	shalt  }
0x65: {  	_ =	shalt  }
0x66: {  	_ =	shalt  }
0x67: {  	_ =	shalt  }
0x68: {  	_ =	shalt  }
0x69: {  	_ =	shalt  }
0x6a: {  	_ =	shalt  }
0x6b: {  	_ =	shalt  }
0x6c: {  	_ =	shalt  }
0x6d: {  	_ =	shalt  }
0x6e: {  	_ =	shalt  }
0x6f: {  	_ =	shalt  }
0x70: {  	_ =	shalt  }
0x71: {  	_ =	shalt  }
0x72: {  	_ =	shalt  }
0x73: {  	_ =	shalt  }
0x74: {  	_ =	shalt  }
0x75: {  	_ =	shalt  }
0x76: {  	_ =	shalt  }
0x77: {  	_ =	shalt  }
0x78: {  	_ =	shalt  }
0x79: {  	_ =	shalt  }
0x7a: {  	_ =	shalt  }
0x7b: {  	_ =	shalt  }
0x7c: {  	_ =	shalt  }
0x7d: {  	_ =	shalt  }
0x7e: {  	_ =	shalt  }
0x7f: {  	_ =	shalt  }
0x80: {  	_ =	shalt  }
0x81: {  	_ =	shalt  }
0x82: {  	_ =	shalt  }
0x83: {  	_ =	shalt  }
0x84: {  	_ =	shalt  }
0x85: {  	_ =	shalt  }
0x86: {  	_ =	shalt  }
0x87: {  	_ =	shalt  }
.Lfunc_end0:
.L_simem_size_0:
called_computation_lowered:
.L_overlay_start_0:
0x88: {  	s2 =	sld [smem:$0x3FD9]  }
0x89: {  	s3 =	sld [smem:$0x3FFE];
	_ =	sdelay $0x1  }
0x8a: {  	s1 =	srdreg.scid  }
0x8b: {  	s0 =	sand.u32 $0x1, s1  }
0x8c: {  	s14 =	sshll.u32 s0, $0xA;
	s2 =	sadd.s32 s3, s2  }
0x8d: {  	s2 =	sadd.s32 s2, s14  }
0x8e: {  	[smem:$0x3FB9] =	sst s2  }
0x8f: {  	_ = 	snop  }
0x90: {  	s2 =	sld [smem:$0x3FD0];
	_ =	sdelay $0x2  }
0x91: {  	s15 =	simm.s32 $0xC;
	s4 =	simm.s32 $0x10  }
0x92: {  	[smem:s4], [sflag:s15] =	dma.local [hbm:s2], $0x1  }
0x93: {  	_ =	swait.eq [sflag:s15], $0x1  }
0x94: {  	[sflag:s15] =	ssyncset.done $0x0  }
0x95: {  	[sflag:s15] =	ssyncadd.s32 $0xFFFFFFFF  }
0x96: {  	s16 =	sld [smem:$0x10];
	(tm) =	ssettm $0x1  }
0x97: {  	s17 =	sld [smem:$0x3FFB];
	_ =	sdelay $0x3  }
0x98: {  	_ =	strace s17  }
0x99: {  	s3 =	sld [smem:$0x3FFC];
	_ =	sdelay $0x3  }
0x9a: {  	_ =	strace s3  }
0x9b: {  	s3 =	sld [smem:$0x3FFD];
	_ =	sdelay $0x3  }
0x9c: {  	_ =	strace s3  }
0x9d: {  	_ =	strace $0x8FFFFFFF  }
0x9e: {  	s18 =	sld [smem:$0x3FDB];
	_ =	sdelay $0x1  }
0x9f: {  	s19 =	simm.s32 $_scs_section_size  }
0xa0: {  	s5 =	simm.s32 $_size__tile_overlayer_lowered;
	s6 =	simm.s32 $_tile_overlayer_lowered  }
0xa1: {  	s22 =	simm.s32 $0x1BFF;
	s21 =	sshll.u32 s6, $0x1;
	s3 =	sadd.s32 s19, s18  }
0xa2: {  	s7 =	simm.s32 $0x0;
	s20 =	sshll.u32 s5, $0x1;
	s5 =	sadd.s32 s21, s3  }
0xa3: {  	[timem:s7], [sflag:s22] =	dma.local [hbm:s5], s20  }
0xa4: {  	_ =	swait.ge [sflag:s22], s20  }
0xa5: {  	s4 =	ssub.s32 $0x0, s20;
	[sflag:s22] =	ssyncset.done $0x0  }
0xa6: {  	[sflag:s22] =	ssyncadd.s32 s4;
	_ =	sdelay $0x1  }
0xa7: {  	s23 =	simm.s32 $0x1B8B  }
0xa8: {  	_ =	swait.ge [sflag:s23], $0x1  }
0xa9: {  	[sflag:s23] =	ssyncset.done $0x0  }
0xaa: {  	s25 =	simm.s32 $0x1B8E;
	s24 =	sld [smem:$0x3FFE];
	[sflag:s23] =	ssyncadd.s32 $0xFFFFFFFF  }
0xab: {  	s26 =	simm.s32 $execute0_lowered;
	[smem:$0x3FD2] =	sst s25  }
0xac: {  	s5 =	sshll.u32 s26, $0x1;
	_ =	strace $0x80000046;
	[dreg:$0x1] =	wrdreg $0xFFFFFFFF  }
0xad: {  	s28 =	simm.s32 $_size_execute0_lowered;
	s3 =	sadd.s32 s3, s5;
	[dreg:$0x0] =	wrdreg $0x0  }
0xae: {  	s5 =	sshll.u32 s28, $0x1;
	[dreg:$0x2] =	wrdreg s3  }
0xaf: {  	[dreg:$0x3] =	wrdreg s5  }
0xb0: {  	[dreg:$0x4] =	wrdreg $0xC0  }
0xb1: {  	_ =	task [dreg:s7], $0x5FFFF  }
0xb2: {  	[dreg:$0x1] =	wrdreg $0xFFFFFFFF  }
0xb3: {  	[dreg:$0x0] =	wrdreg $0x60  }
0xb4: {  	[dreg:$0x2] =	wrdreg s24  }
0xb5: {  	[dreg:$0x3] =	wrdreg s16  }
0xb6: {  	[dreg:$0x4] =	wrdreg $0x9  }
0xb7: {  	_ =	task.clear_ibuf [dreg:s7], $0x5FFFF;
	_ =	strace $0x90000046  }
0xb8: {  	s29 =	simm.s32 $0x9;
	_ =	strace $0x80000048  }
0xb9: {  	_ =	swait.ge [sflag:s29], $0x1  }
0xba: {  	[sflag:s29] =	ssyncadd.s32 $0xFFFFFFFF  }
0xbb: {  	_ =	strace $0x90000048  }
0xbc: {  	_ =	sfence  }
0xbd: {  	s30 =	sld [smem:$0x0];
	_ =	sdelay $0x2  }
0xbe: {  	s31 =	sshll.u32 s1, $0xD;
	s1 =	sshrl.u32 s1, $0x2  }
0xbf: {  	s3 =	sand.u32 $0x4000, s31;
	s1 =	sadd.s32 s1, s30  }
0xc0: {  	s0 =	sor.u32 s3, s0;
	s1 =	sshll.u32 s1, $0x11  }
0xc1: {  	s0 =	sor.u32 s1, s0  }
0xc2: {  	s0 =	sadd.s32 $0x8F2B, s0  }
0xc3: {  	[sflag:s0] =	ssyncadd.remote.s32 $0x1  }
0xc4: {  	_ =	sfence.sel $0xFFFF  }
0xc5: {  	[dreg:$0x0] =	wrdreg $0xFFFFFFFF;
	(pc) =	sbr.abs _section_cstart, $3  }
0xc6: {  	[dreg:$0x1] =	wrdreg $0xFFFFFFFF  }
0xc7: {  	_ =	task.clear_ibuf [dreg:s7], $0x2FFFF;
	_ =	strace $0x9FFFFFFF  }
0xc8: {  	(tm) =	ssettm $0x7FFFFFFF  }
0xc9: {  	_ =	shalt  }
tec
execute0_lowered:
.L_overlay_start_1:
0x0: {  	(tag) =	ssettag $0x1  }
0x1: {  	s4 =	rddreg [dreg:$0x0]  }
0x2: {  	s8 =	rddreg [dreg:$0x1]  }
0x3: {  	s0 =	rddreg [dreg:$0x2]  }
0x4: {  	s3 =	srdreg.scid;
	s1 =	stileid.u32  }
0x5: {  	s2 =	simm.s32 $0x0;
	s14 =	simm.s32 $0x1;
	s9 =	smul.u32 $0x64000, s1  }
0x6: {  	s15 =	simm.s32 $0x2;
	s6 =	sand.u32 $0x1, s3;
	s12 =	smul.u32 $0xC800, s1  }
0x7: {  	s16 =	simm.s32 $0x0;
	s28 =	sshll.u32 s1, $0x1;
	s11 =	smul.u32 $0x32000, s6  }
0x8: {  	[smem:$0x7FF] =	sst s2;
	s5 =	sor.u32 s6, s28;
	s13 =	smul.u32 $0x6400, s6  }
0x9: {  	s3 =	sadd.s32 $0x18B200, s4;
	s29 =	ssub.s32 $0x2, s6;
	s7 =	smul.u32 $0x320, s5  }
0xa: {  	_ =	strace $0x80000047;
	s5 =	smul.u32 $0x32000, s5;
	s10 =	sshrl.u32 s29, $0x1  }
0xb: {  	s31 =	sadd.s32 s12, s8;
	s12 =	simm.s32 $0x1900;
	s9 =	sadd.s32 s11, s9  }
0xc: {  	s11 =	simm.s32 $0x80;
	s4 =	sadd.s32 s7, s4;
	s5 =	sshrl.u32 s5, $0x3  }
0xd: {  	s7 =	ssub.s32 s29, s10;
	s9 =	sshrl.u32 s9, $0x3;
	s10 =	sadd.s32 s13, s31  }
0xe: {  	s13 =	simm.s32 $0x2900;
	s30 =	sadd.s32 s8, s5;
	s4 =	sadd.s32 $0x4600, s4  }
0xf: {  	s7 =	smax.u32 s7, $0x1;
	s8 =	sadd.s32 s9, s8;
	s9 =	sadd.s32 $0x200, s10  }
0x10: {  	s10 =	simm.s32 $0x3;
	s5 =	sadd.s32 $0x6000, s30;
	s6 =	sadd.s32 $0x6200, s30  }
.LBB2_1:
0x11: {  	[tilespmem:s2], [sflag:$0x3] =	stream.linear.gather [hbm4b:s4+s2], $0x1900, $0x38;
	[tilespmem:$0x3900] =	vst v63  }
0x12: {  	_ =	swait.ge [sflag:s10], $0x1900  }
0x13: {  	[sflag:s10] =	ssyncset.done $0x0  }
0x14: {  	[sflag:s10] =	ssyncadd.s32 $0xFFFFE700  }
0x15: {  	[tilespmem:s12], [sflag:$0x1] =	stream.indirect.gather [hbm4b:s3+s11], $0x20, s2, s11, $0xb8;
	[tilespmem:$0x3900] =	vst v63  }
0x16: {  	_ = 	snop  }
0x17: {  	[tilespmem:s13], [sflag:$0x2] =	stream.indirect.gather [hbm4b:s3+s11], $0x20, s11, s11, $0xb8;
	[tilespmem:$0x3900] =	vst v63  }
0x18: {  	_ =	swait.ge [sflag:s14], $0x1000  }
0x19: {  	[sflag:s14] =	ssyncset.done $0x0  }
0x1a: {  	s17 =	sadd.s32 $0x0, s8;
	[sflag:s14] =	ssyncadd.s32 $0xFFFFF000  }
0x1b: {  	[hbm4b:s17+s2] =	stream.linear.scatter [tilespmem:s12], [sflag:$0x3], $0x1000, $0x38;
	[tilespmem:$0x3900] =	vst v63  }
0x1c: {  	_ =	swait.ge [sflag:s10], $0x1000  }
0x1d: {  	[sflag:s10] =	ssyncset.done $0x0  }
0x1e: {  	s30 =	simm.s32 $0x100;
	[sflag:s10] =	ssyncadd.s32 $0xFFFFF000  }
0x1f: {  	[tilespmem:s12], [sflag:$0x1] =	stream.indirect.gather [hbm4b:s3+s11], $0x20, s30, s11, $0xb8;
	[tilespmem:$0x3900] =	vst v63  }
0x20: {  	_ =	swait.ge [sflag:s15], $0x1000  }
0x21: {  	[sflag:s15] =	ssyncset.done $0x0  }
0x22: {  	s31 =	sadd.s32 $0x0, s9;
	[sflag:s15] =	ssyncadd.s32 $0xFFFFF000  }
0x23: {  	[hbm4b:s31+s2] =	stream.linear.scatter [tilespmem:s13], [sflag:$0x3], $0x1000, $0x38;
	[tilespmem:$0x3900] =	vst v63  }
0x24: {  	_ =	swait.ge [sflag:s10], $0x1000  }
0x25: {  	[sflag:s10] =	ssyncset.done $0x0  }
0x26: {  	s18 =	simm.s32 $0x180;
	s17 =	simm.s32 $0x400;
	[sflag:s10] =	ssyncadd.s32 $0xFFFFF000  }
.LBB2_2:
0x27: {  	[tilespmem:s13], [sflag:$0x2] =	stream.indirect.gather [hbm4b:s3+s11], $0x20, s18, s11, $0xb8;
	[tilespmem:$0x3900] =	vst v63  }
0x28: {  	s18 =	smov.u32 s17  }
0x29: {  	p0 =	sne.s32 s17, $0x5C00;
	s17 =	sadd.s32 $0x400, s17;
	_ =	swait.ge [sflag:s14], $0x1000  }
0x2a: {  	[sflag:s14] =	ssyncset.done $0x0  }
0x2b: {  	s19 =	sadd.s32 s18, s8;
	[sflag:s14] =	ssyncadd.s32 $0xFFFFF000  }
0x2c: {  	[hbm4b:s19+s2] =	stream.linear.scatter [tilespmem:s12], [sflag:$0x3], $0x1000, $0x38;
	[tilespmem:$0x3900] =	vst v63  }
0x2d: {  	_ =	swait.ge [sflag:s10], $0x1000  }
0x2e: {  	s19 =	sshra.s32 s18, $0x2;
	[sflag:s10] =	ssyncset.done $0x0  }
0x2f: {  	s20 =	sadd.s32 $0x100, s19;
	[sflag:s10] =	ssyncadd.s32 $0xFFFFF000  }
0x30: {  	[tilespmem:s12], [sflag:$0x1] =	stream.indirect.gather [hbm4b:s3+s11], $0x20, s20, s11, $0xb8;
	[tilespmem:$0x3900] =	vst v63  }
0x31: {  	_ =	swait.ge [sflag:s15], $0x1000  }
0x32: {  	[sflag:s15] =	ssyncset.done $0x0  }
.Ltmp0:
0x33: {  	s18 =	sadd.s32 s18, s9;
	[sflag:s15] =	ssyncadd.s32 $0xFFFFF000;
	(pc) =	sbr.rel @p0 .LBB2_2-.Ltmp0, $4  }
0x34: {  	[hbm4b:s18+s2] =	stream.linear.scatter [tilespmem:s13], [sflag:$0x3], $0x1000, $0x38;
	[tilespmem:$0x3900] =	vst v63  }
0x35: {  	_ =	swait.ge [sflag:s10], $0x1000  }
0x36: {  	[sflag:s10] =	ssyncset.done $0x0  }
0x37: {  	s18 =	sadd.s32 $0x180, s19;
	[sflag:s10] =	ssyncadd.s32 $0xFFFFF000  }
0x38: {  	[tilespmem:s13], [sflag:$0x2] =	stream.indirect.gather [hbm4b:s3+s11], $0x20, s18, s11, $0xb8;
	[tilespmem:$0x3900] =	vst v63  }
0x39: {  	_ =	swait.ge [sflag:s14], $0x1000  }
0x3a: {  	[sflag:s14] =	ssyncset.done $0x0  }
0x3b: {  	[sflag:s14] =	ssyncadd.s32 $0xFFFFF000  }
0x3c: {  	[hbm4b:s5+s2] =	stream.linear.scatter [tilespmem:s12], [sflag:$0x3], $0x1000, $0x38;
	[tilespmem:$0x3900] =	vst v63  }
0x3d: {  	_ =	swait.ge [sflag:s10], $0x1000  }
0x3e: {  	[sflag:s10] =	ssyncset.done $0x0  }
0x3f: {  	[sflag:s10] =	ssyncadd.s32 $0xFFFFF000  }
0x40: {  	s16 =	sadd.s32 $0x1, s16;
	_ =	swait.ge [sflag:s15], $0x1000  }
0x41: {  	p0 =	sne.s32 s16, s7;
	[sflag:s15] =	ssyncset.done $0x0  }
.Ltmp1:
0x42: {  	[sflag:s15] =	ssyncadd.s32 $0xFFFFF000;
	(pc) =	sbr.rel @p0 .LBB2_1-.Ltmp1, $4  }
0x43: {  	[hbm4b:s6+s2] =	stream.linear.scatter [tilespmem:s13], [sflag:$0x3], $0x1000, $0x38;
	[tilespmem:$0x3900] =	vst v63  }
0x44: {  	_ =	swait.ge [sflag:s10], $0x1000  }
0x45: {  	[sflag:s10] =	ssyncset.done $0x0  }
0x46: {  	[sflag:s10] =	ssyncadd.s32 $0xFFFFF000  }
0x47: {  	_ =	sfence.sel $0x180000  }
0x48: {  	[bflag:$0x0] =	sbarrier.arrive $0xFFFF  }
0x49: {  	p0 =	sne.s32 s1, $0x0;
	_ =	strace $0x90000047  }
0x4a: {  	s0 =	sadd.s32 @!p0 $0x100000, s0;
	[bflag:$0x2] =	sbarrier.arrive $0xFFFF  }
0x4b: {  	[sflag:s0] =	ssyncadd.tile.s32 @!p0 $0x1;
	_ =	shalt  }
.Lfunc_end2:
_tile_overlayer_lowered:
.L_overlay_start_2:
0x4c: {  	(tag) =	ssettag $0x2  }
0x4d: {  	s0 =	rddreg [dreg:$0x0];
	s2 =	stileid.u32  }
0x4e: {  	s1 =	rddreg [dreg:$0x1];
	p0 =	sne.s32 s2, $0x0  }
0x4f: {  	s3 =	rddreg [dreg:$0x2];
	[bflag:$0x3] =	sbarrier.arrive $0xFFFF;
	s2 =	simm.s32 @!p0 $0x1C03  }
0x50: {  	[timem:s3], [sflag:s2] =	dma.local @!p0 [hbm:s0], s1  }
0x51: {  	s0 =	simm.s32 @!p0 $0x3  }
0x52: {  	_ =	swait.ge @!p0 [sflag:s0], s1  }
0x53: {  	s1 =	ssub.s32 @!p0 $0x0, s1;
	[sflag:s0] =	ssyncset.done @!p0 $0x0  }
0x54: {  	[sflag:s0] =	ssyncadd.s32 @!p0 s1  }
0x55: {  	[bflag:$0x3] =	sbarrier.arrive $0xFFFF  }
0x56: {  	_ =	shalt  }

</sc_bundles>
